<compile_context>
chip_gen: v7x
topology: tpu7x:2x2x1
jax: 0.10.2.dev20260603
libtpu: 0.0.44.dev20260713+nightly
codegen_flags: <defaults>
</compile_context>

<pallas_src>
import numpy as np
import jax
import jax.numpy as jnp
from jax import lax
from jax.experimental import pallas as pl
from jax.experimental.pallas import tpu as pltpu
from jax.experimental.pallas import tpu_sc as plsc

B = 32
N = 4096
S = 1024
F = 64
L = 16
NCHUNK = N // L

_INT_MAX = np.int32(2147483647)
_U = 2


def _fps_body(xs_hbm, ys_hbm, zs_hbm, gx_hbm, gy_hbm, gz_hbm,
              xs, ys, zs, dist, gx, gy, gz, idxs):
    b = lax.axis_index("s") * 2 + lax.axis_index("c")
    pltpu.sync_copy(xs_hbm.at[b], xs)
    pltpu.sync_copy(ys_hbm.at[b], ys)
    pltpu.sync_copy(zs_hbm.at[b], zs)

    big = jnp.full((L,), 1e10, jnp.float32)

    @plsc.parallel_loop(0, NCHUNK)
    def _init(j):
        dist[pl.ds(j * L, L)] = big

    lane_iota = lax.iota(jnp.int32, L)

    def step(i, farthest):
        fv = jnp.full((L,), farthest, jnp.int32)
        plsc.store_scatter(idxs, [jnp.full((L,), i, jnp.int32)], fv)
        cxv = plsc.load_gather(xs, [fv])
        cyv = plsc.load_gather(ys, [fv])
        czv = plsc.load_gather(zs, [fv])

        def chunk(j, carry):
            bvs, bis = carry
            nbv, nbi = [], []
            for k in range(_U):
                jj = j * _U + k
                sl = pl.ds(jj * L, L)
                dx = xs[sl] - cxv
                dy = ys[sl] - cyv
                dz = zs[sl] - czv
                d = dx * dx + dy * dy + dz * dz
                dn = jnp.minimum(dist[sl], d)
                dist[sl] = dn
                idxv = lane_iota + jj * L
                better = dn > bvs[k]
                nbv.append(jnp.where(better, dn, bvs[k]))
                nbi.append(jnp.where(better, idxv, bis[k]))
            return tuple(nbv), tuple(nbi)

        bv0 = jnp.full((L,), -1.0, jnp.float32)
        bi0 = jnp.zeros((L,), jnp.int32)
        bvs, bis = plsc.parallel_loop(
            0, NCHUNK // _U, unroll=4,
            carry=((bv0,) * _U, (bi0,) * _U))(chunk)
        bv, bi = bvs[0], bis[0]
        for k in range(1, _U):
            take = (bvs[k] > bv) | ((bvs[k] == bv) & (bis[k] < bi))
            bv = jnp.where(take, bvs[k], bv)
            bi = jnp.where(take, bis[k], bi)
        m = jnp.max(bv)
        cand = jnp.where(bv == m, bi, _INT_MAX)
        return jnp.min(cand)

    lax.fori_loop(0, S, step, jnp.int32(0))

    @plsc.parallel_loop(0, S // L)
    def _gout(j):
        sl = pl.ds(j * L, L)
        iv = idxs[sl]
        gx[sl] = plsc.load_gather(xs, [iv])
        gy[sl] = plsc.load_gather(ys, [iv])
        gz[sl] = plsc.load_gather(zs, [iv])

    pltpu.sync_copy(gx, gx_hbm.at[b])
    pltpu.sync_copy(gy, gy_hbm.at[b])
    pltpu.sync_copy(gz, gz_hbm.at[b])


_fps = pl.kernel(
    _fps_body,
    out_type=[jax.ShapeDtypeStruct((B, S), jnp.float32)] * 3,
    mesh=plsc.VectorSubcoreMesh(core_axis_name="c", subcore_axis_name="s",
                                num_cores=2, num_subcores=16),
    scratch_types=[pltpu.VMEM((N,), jnp.float32)] * 4
                  + [pltpu.VMEM((S,), jnp.float32)] * 3
                  + [pltpu.VMEM((S,), jnp.int32)],
    compiler_params=pltpu.CompilerParams(needs_layout_passes=False),
)


def _embed_body(gx_ref, gy_ref, gz_ref, w0_ref, w1_ref, w2_ref, cb_ref,
                gamma_ref, bbeta_ref, alpha_ref, beta_ref, out_ref):
    gx = gx_ref[...]
    gy = gy_ref[...]
    gz = gz_ref[...]
    w0 = w0_ref[...]
    w1 = w1_ref[...]
    w2 = w2_ref[...]
    emb = gx * w0 + gy * w1 + gz * w2 + cb_ref[...]
    cnt = jnp.float32(B * S)
    mean_c = jnp.sum(jnp.sum(emb, axis=2, keepdims=True), axis=0,
                     keepdims=True) / cnt
    dev = emb - mean_c
    var_c = jnp.sum(jnp.sum(dev * dev, axis=2, keepdims=True), axis=0,
                    keepdims=True) / cnt
    bn = dev / jnp.sqrt(var_c + 1e-5) * gamma_ref[...] + bbeta_ref[...]
    act = jnp.where(bn > 0, bn, 0.01 * bn)
    m = jnp.sum(act, axis=2, keepdims=True) / jnp.float32(S)
    d2 = act - m
    sd = jnp.sqrt(jnp.sum(d2 * d2, axis=2, keepdims=True) / jnp.float32(S - 1))
    res = alpha_ref[...] * (d2 / (sd + 1e-5)) + beta_ref[...]
    out_ref[...] = jnp.swapaxes(res, 1, 2)


_embed = pl.pallas_call(
    _embed_body,
    out_shape=jax.ShapeDtypeStruct((B, S, F), jnp.float32),
)


def kernel(x, conv_w, conv_b, bn_gamma, bn_beta, alpha, beta):
    xs = x[:, 0, :]
    ys = x[:, 1, :]
    zs = x[:, 2, :]
    gx, gy, gz = _fps(xs, ys, zs)
    col = lambda v: v.reshape(1, F, 1)
    return _embed(gx[:, None, :], gy[:, None, :], gz[:, None, :],
                  col(conv_w[:, 0]), col(conv_w[:, 1]), col(conv_w[:, 2]),
                  col(conv_b), col(bn_gamma), col(bn_beta),
                  col(alpha[0, 0]), col(beta[0, 0]))

# --- scband reference (transcript-rebuilt; emitter-appended) ---
"""Pipeline reference for scband-sample-and-group-19396072308849 (READ-ONLY COPY).

The authoritative reference and input builder live on the scoring server;
editing this copy changes nothing except your own understanding.
"""

import jax, jax.numpy as jnp
import numpy as np

NUM_POINTS = 1024
FEAT = 64


def fps(xyz, n_samples):
    # farthest point sampling (standard PointNet++ fps_grouper)
    xyz = jax.lax.stop_gradient(xyz)
    B, N, _ = xyz.shape

    def body(i, state):
        dist, idxs, farthest = state
        idxs = idxs.at[:, i].set(farthest)
        centroid = jnp.take_along_axis(xyz, farthest[:, None, None], axis=1)  # [B,1,3]
        d = jnp.sum((xyz - centroid) ** 2, axis=-1)  # [B,N]
        dist = jnp.minimum(dist, d)
        farthest = jnp.argmax(dist, axis=-1).astype(jnp.int32)
        return (dist, idxs, farthest)

    dist = jnp.full((B, N), 1e10, dtype=xyz.dtype)
    idxs = jnp.zeros((B, n_samples), dtype=jnp.int32)
    farthest = jnp.zeros((B,), dtype=jnp.int32)
    _, idxs, _ = jax.lax.fori_loop(0, n_samples, body, (dist, idxs, farthest))
    return idxs


def setup_inputs(seed: int = 0):
    key = jax.random.key(seed)
    ks = jax.random.split(key, 4)
    x = jax.random.normal(ks[0], (32, 3, 4096), dtype=jnp.float32)
    # Embedding_Layer (feature_channel==64 -> Conv1d(3,64,k=1,bias=True) + BatchNorm1d + LeakyReLU)
    conv_w = jax.random.normal(ks[1], (FEAT, 3), dtype=jnp.float32) * (1.0 / np.sqrt(3.0))
    conv_b = jax.random.normal(ks[2], (FEAT,), dtype=jnp.float32) * 0.01
    bn_gamma = jnp.ones((FEAT,), dtype=jnp.float32)
    bn_beta = jnp.zeros((FEAT,), dtype=jnp.float32)
    # affine params of SampleAndGroup normalization
    alpha = jnp.ones((1, 1, FEAT), dtype=jnp.float32)
    beta = jnp.zeros((1, 1, FEAT), dtype=jnp.float32)
    return {"x": x, "conv_w": conv_w, "conv_b": conv_b, "bn_gamma": bn_gamma,
            "bn_beta": bn_beta, "alpha": alpha, "beta": beta}


def reference(x, conv_w, conv_b, bn_gamma, bn_beta, alpha, beta):
    # x: [B, 3, N] -> xyz: [B, N, 3]
    xyz = jnp.transpose(x, (0, 2, 1))
    idxs = fps(xyz, NUM_POINTS)  # [B, S] int32
    group_xyz = jnp.take_along_axis(xyz, idxs[..., None], axis=1)  # [B, S, 3]
    # Embedding: Conv1d(kernel=1) == per-point linear
    emb = jnp.einsum('bsc,fc->bsf', group_xyz, conv_w) + conv_b  # [B, S, 64]
    # BatchNorm1d in training mode: stats over (batch, points) per channel, biased var
    mean_c = jnp.mean(emb, axis=(0, 1))
    var_c = jnp.var(emb, axis=(0, 1))
    emb = (emb - mean_c) / jnp.sqrt(var_c + 1e-5) * bn_gamma + bn_beta
    # LeakyReLU(0.01)
    group_points = jnp.where(emb > 0, emb, 0.01 * emb)
    # normalize == 'center': mean/std over points dim (torch.std is unbiased, ddof=1)
    m = jnp.mean(group_points, axis=1, keepdims=True)
    s = jnp.std(group_points, axis=1, keepdims=True, ddof=1)
    group_points = (group_points - m) / (s + 1e-5)
    group_points = alpha * group_points + beta
    return group_points

if __name__ == "__main__":
    import jax
    _d = setup_inputs()
    print(jax.jit(kernel)(*tuple(_d.values())))

</pallas_src>

<mosaic_0001>
#map = affine_map<(d0, d1) -> (0, 0)>
module attributes {stable_mosaic.version = 14 : i64} {
  func.func @_fps_body(%arg0: i32, %arg1: i32, %arg2: memref<32x4096xf32, #tpu.memory_space<hbm>>, %arg3: memref<32x4096xf32, #tpu.memory_space<hbm>>, %arg4: memref<32x4096xf32, #tpu.memory_space<hbm>>, %arg5: memref<32x1024xf32, #tpu.memory_space<hbm>>, %arg6: memref<32x1024xf32, #tpu.memory_space<hbm>>, %arg7: memref<32x1024xf32, #tpu.memory_space<hbm>>, %arg8: memref<4096xf32, #tpu.memory_space<vmem>>, %arg9: memref<4096xf32, #tpu.memory_space<vmem>>, %arg10: memref<4096xf32, #tpu.memory_space<vmem>>, %arg11: memref<4096xf32, #tpu.memory_space<vmem>>, %arg12: memref<1024xf32, #tpu.memory_space<vmem>>, %arg13: memref<1024xf32, #tpu.memory_space<vmem>>, %arg14: memref<1024xf32, #tpu.memory_space<vmem>>, %arg15: memref<1024xi32, #tpu.memory_space<vmem>>) attributes {dimension_semantics = [#tpu.dimension_semantics<core_parallel>, #tpu.dimension_semantics<subcore_parallel>], iteration_bounds = array<i64: 2, 16>, scalar_prefetch = 0 : i64, scratch_operands = 8 : i64, tpu.core_type = #tpu.core_type<sc_vector_subcore>, window_params = [{transform_indices = #map}, {transform_indices = #map}, {transform_indices = #map}, {transform_indices = #map}, {transform_indices = #map}, {transform_indices = #map}]} {
    %mul3A = arith.constant 2 : i32
    %mul3A_0 = arith.muli %arg1, %mul3A : i32
    %add3A = arith.addi %mul3A_0, %arg0 : i32
    "tpu.region"() ({
      %run_scoped3A = tpu.sem_alloc : memref<!tpu.dma_semaphore, #tpu.memory_space<semaphore_mem>>
      %dma_start3A = arith.constant 0 : i32
      %dma_start3A_13 = tpu.memref_slice %arg2[%add3A, %dma_start3A] : memref<32x4096xf32, #tpu.memory_space<hbm>> -> memref<1x4096xf32, #tpu.memory_space<hbm>>
      %dma_start3A_14 = tpu.memref_squeeze %dma_start3A_13 : memref<1x4096xf32, #tpu.memory_space<hbm>> -> memref<4096xf32, #tpu.memory_space<hbm>>
      %dma_start3A_15 = arith.constant 0 : i32
      %dma_start3A_16 = tpu.memref_slice %arg2[%add3A, %dma_start3A_15] : memref<32x4096xf32, #tpu.memory_space<hbm>> -> memref<1x4096xf32, #tpu.memory_space<hbm>>
      %dma_start3A_17 = tpu.memref_squeeze %dma_start3A_16 : memref<1x4096xf32, #tpu.memory_space<hbm>> -> memref<4096xf32, #tpu.memory_space<hbm>>
      tpu.enqueue_dma source(%dma_start3A_17 : memref<4096xf32, #tpu.memory_space<hbm>>) target(%arg8 : memref<4096xf32, #tpu.memory_space<vmem>>) target_semaphore(%run_scoped3A : memref<!tpu.dma_semaphore, #tpu.memory_space<semaphore_mem>>)
      %dma_wait3A = arith.constant 0 : i32
      %dma_wait3A_18 = tpu.memref_slice %arg2[%add3A, %dma_wait3A] : memref<32x4096xf32, #tpu.memory_space<hbm>> -> memref<1x4096xf32, #tpu.memory_space<hbm>>
      %dma_wait3A_19 = tpu.memref_squeeze %dma_wait3A_18 : memref<1x4096xf32, #tpu.memory_space<hbm>> -> memref<4096xf32, #tpu.memory_space<hbm>>
      %dma_wait3A_20 = arith.constant 0 : i32
      %dma_wait3A_21 = tpu.memref_slice %arg2[%add3A, %dma_wait3A_20] : memref<32x4096xf32, #tpu.memory_space<hbm>> -> memref<1x4096xf32, #tpu.memory_space<hbm>>
      %dma_wait3A_22 = tpu.memref_squeeze %dma_wait3A_21 : memref<1x4096xf32, #tpu.memory_space<hbm>> -> memref<4096xf32, #tpu.memory_space<hbm>>
      tpu.wait_dma2 semaphore(%run_scoped3A : memref<!tpu.dma_semaphore, #tpu.memory_space<semaphore_mem>>) src(%dma_wait3A_22 : memref<4096xf32, #tpu.memory_space<hbm>>) dst(%arg8 : memref<4096xf32, #tpu.memory_space<vmem>>)
      tpu.yield
    }) : () -> ()
    "tpu.region"() ({
      %run_scoped3A = tpu.sem_alloc : memref<!tpu.dma_semaphore, #tpu.memory_space<semaphore_mem>>
      %dma_start3A = arith.constant 0 : i32
      %dma_start3A_13 = tpu.memref_slice %arg3[%add3A, %dma_start3A] : memref<32x4096xf32, #tpu.memory_space<hbm>> -> memref<1x4096xf32, #tpu.memory_space<hbm>>
      %dma_start3A_14 = tpu.memref_squeeze %dma_start3A_13 : memref<1x4096xf32, #tpu.memory_space<hbm>> -> memref<4096xf32, #tpu.memory_space<hbm>>
      %dma_start3A_15 = arith.constant 0 : i32
      %dma_start3A_16 = tpu.memref_slice %arg3[%add3A, %dma_start3A_15] : memref<32x4096xf32, #tpu.memory_space<hbm>> -> memref<1x4096xf32, #tpu.memory_space<hbm>>
      %dma_start3A_17 = tpu.memref_squeeze %dma_start3A_16 : memref<1x4096xf32, #tpu.memory_space<hbm>> -> memref<4096xf32, #tpu.memory_space<hbm>>
      tpu.enqueue_dma source(%dma_start3A_17 : memref<4096xf32, #tpu.memory_space<hbm>>) target(%arg9 : memref<4096xf32, #tpu.memory_space<vmem>>) target_semaphore(%run_scoped3A : memref<!tpu.dma_semaphore, #tpu.memory_space<semaphore_mem>>)
      %dma_wait3A = arith.constant 0 : i32
      %dma_wait3A_18 = tpu.memref_slice %arg3[%add3A, %dma_wait3A] : memref<32x4096xf32, #tpu.memory_space<hbm>> -> memref<1x4096xf32, #tpu.memory_space<hbm>>
      %dma_wait3A_19 = tpu.memref_squeeze %dma_wait3A_18 : memref<1x4096xf32, #tpu.memory_space<hbm>> -> memref<4096xf32, #tpu.memory_space<hbm>>
      %dma_wait3A_20 = arith.constant 0 : i32
      %dma_wait3A_21 = tpu.memref_slice %arg3[%add3A, %dma_wait3A_20] : memref<32x4096xf32, #tpu.memory_space<hbm>> -> memref<1x4096xf32, #tpu.memory_space<hbm>>
      %dma_wait3A_22 = tpu.memref_squeeze %dma_wait3A_21 : memref<1x4096xf32, #tpu.memory_space<hbm>> -> memref<4096xf32, #tpu.memory_space<hbm>>
      tpu.wait_dma2 semaphore(%run_scoped3A : memref<!tpu.dma_semaphore, #tpu.memory_space<semaphore_mem>>) src(%dma_wait3A_22 : memref<4096xf32, #tpu.memory_space<hbm>>) dst(%arg9 : memref<4096xf32, #tpu.memory_space<vmem>>)
      tpu.yield
    }) : () -> ()
    "tpu.region"() ({
      %run_scoped3A = tpu.sem_alloc : memref<!tpu.dma_semaphore, #tpu.memory_space<semaphore_mem>>
      %dma_start3A = arith.constant 0 : i32
      %dma_start3A_13 = tpu.memref_slice %arg4[%add3A, %dma_start3A] : memref<32x4096xf32, #tpu.memory_space<hbm>> -> memref<1x4096xf32, #tpu.memory_space<hbm>>
      %dma_start3A_14 = tpu.memref_squeeze %dma_start3A_13 : memref<1x4096xf32, #tpu.memory_space<hbm>> -> memref<4096xf32, #tpu.memory_space<hbm>>
      %dma_start3A_15 = arith.constant 0 : i32
      %dma_start3A_16 = tpu.memref_slice %arg4[%add3A, %dma_start3A_15] : memref<32x4096xf32, #tpu.memory_space<hbm>> -> memref<1x4096xf32, #tpu.memory_space<hbm>>
      %dma_start3A_17 = tpu.memref_squeeze %dma_start3A_16 : memref<1x4096xf32, #tpu.memory_space<hbm>> -> memref<4096xf32, #tpu.memory_space<hbm>>
      tpu.enqueue_dma source(%dma_start3A_17 : memref<4096xf32, #tpu.memory_space<hbm>>) target(%arg10 : memref<4096xf32, #tpu.memory_space<vmem>>) target_semaphore(%run_scoped3A : memref<!tpu.dma_semaphore, #tpu.memory_space<semaphore_mem>>)
      %dma_wait3A = arith.constant 0 : i32
      %dma_wait3A_18 = tpu.memref_slice %arg4[%add3A, %dma_wait3A] : memref<32x4096xf32, #tpu.memory_space<hbm>> -> memref<1x4096xf32, #tpu.memory_space<hbm>>
      %dma_wait3A_19 = tpu.memref_squeeze %dma_wait3A_18 : memref<1x4096xf32, #tpu.memory_space<hbm>> -> memref<4096xf32, #tpu.memory_space<hbm>>
      %dma_wait3A_20 = arith.constant 0 : i32
      %dma_wait3A_21 = tpu.memref_slice %arg4[%add3A, %dma_wait3A_20] : memref<32x4096xf32, #tpu.memory_space<hbm>> -> memref<1x4096xf32, #tpu.memory_space<hbm>>
      %dma_wait3A_22 = tpu.memref_squeeze %dma_wait3A_21 : memref<1x4096xf32, #tpu.memory_space<hbm>> -> memref<4096xf32, #tpu.memory_space<hbm>>
      tpu.wait_dma2 semaphore(%run_scoped3A : memref<!tpu.dma_semaphore, #tpu.memory_space<semaphore_mem>>) src(%dma_wait3A_22 : memref<4096xf32, #tpu.memory_space<hbm>>) dst(%arg10 : memref<4096xf32, #tpu.memory_space<vmem>>)
      tpu.yield
    }) : () -> ()
    %broadcast_in_dim3A = arith.constant 1.000000e+10 : f32
    %broadcast_in_dim3A_1 = vector.broadcast %broadcast_in_dim3A : f32 to vector<16xf32>
    %parallel_loop3A = arith.constant 0 : i32
    %parallel_loop3A_2 = arith.constant 256 : i32
    %parallel_loop3A_3 = arith.constant 1 : i32
    scf.for %parallel_loop3A_13 = %parallel_loop3A to %parallel_loop3A_2 step %parallel_loop3A_3  : i32 {
      %parallel_loop3A_14 = arith.constant 16 : i32
      %parallel_loop3A_15 = arith.muli %parallel_loop3A_13, %parallel_loop3A_14 : i32
      %parallel_loop3A_16 = arith.index_cast %parallel_loop3A_15 : i32 to index
      %parallel_loop3A_17 = tpu.vector_load %arg11[%parallel_loop3A_16] {strides = array<i32>} : memref<4096xf32, #tpu.memory_space<vmem>>, vector<16xf32>,
      tpu.vector_store %arg11[%parallel_loop3A_16], %broadcast_in_dim3A_1 {strides = array<i32>} : memref<4096xf32, #tpu.memory_space<vmem>>, vector<16xf32>,
    } {sc.loop_unroll_factor = 1 : i64, sc.parallel_access}
    %iota3A = tpu.iota {dimensions = array<i32: 0>} : vector<16xi32>
    %scan3A = arith.constant 0 : i32
    %scan3A_4 = arith.constant 0 : i32
    %scan3A_5 = arith.constant 1024 : i32
    %scan3A_6 = arith.addi %scan3A_4, %scan3A_5 : i32
    %scan3A_7 = arith.constant 1 : i32
    %scan3A_8 = scf.for %scan3A_13 = %scan3A_4 to %scan3A_6 step %scan3A_7 iter_args(%scan3A_14 = %scan3A) -> (i32)  : i32 {
      %broadcast_in_dim3A_15 = vector.broadcast %scan3A_14 : i32 to vector<16xi32>
      %broadcast_in_dim3A_16 = vector.broadcast %scan3A_13 : i32 to vector<16xi32>
      tpu.vector_store_idx %arg15[%broadcast_in_dim3A_16], %broadcast_in_dim3A_15 : memref<1024xi32, #tpu.memory_space<vmem>>[vector<16xi32>], vector<16xi32>,
      %gather3A = tpu.vector_load_idx %arg8[%broadcast_in_dim3A_15] : memref<4096xf32, #tpu.memory_space<vmem>>[vector<16xi32>], vector<16xf32>,
      %gather3A_17 = tpu.vector_load_idx %arg9[%broadcast_in_dim3A_15] : memref<4096xf32, #tpu.memory_space<vmem>>[vector<16xi32>], vector<16xf32>,
      %gather3A_18 = tpu.vector_load_idx %arg10[%broadcast_in_dim3A_15] : memref<4096xf32, #tpu.memory_space<vmem>>[vector<16xi32>], vector<16xf32>,
      %broadcast_in_dim3A_19 = arith.constant -1.000000e+00 : f32
      %broadcast_in_dim3A_20 = vector.broadcast %broadcast_in_dim3A_19 : f32 to vector<16xf32>
      %broadcast_in_dim3A_21 = arith.constant 0 : i32
      %broadcast_in_dim3A_22 = vector.broadcast %broadcast_in_dim3A_21 : i32 to vector<16xi32>
      %parallel_loop3A_23 = arith.constant 0 : i32
      %parallel_loop3A_24 = arith.constant 128 : i32
      %parallel_loop3A_25 = arith.constant 1 : i32
      %parallel_loop3A_26:4 = scf.for %parallel_loop3A_42 = %parallel_loop3A_23 to %parallel_loop3A_24 step %parallel_loop3A_25 iter_args(%parallel_loop3A_43 = %broadcast_in_dim3A_20, %parallel_loop3A_44 = %broadcast_in_dim3A_20, %parallel_loop3A_45 = %broadcast_in_dim3A_22, %parallel_loop3A_46 = %broadcast_in_dim3A_22) -> (vector<16xf32>, vector<16xf32>, vector<16xi32>, vector<16xi32>)  : i32 {
        %parallel_loop3A_47 = arith.constant 2 : i32
        %parallel_loop3A_48 = arith.muli %parallel_loop3A_42, %parallel_loop3A_47 : i32
        %parallel_loop3A_49 = arith.constant 0 : i32
        %parallel_loop3A_50 = arith.addi %parallel_loop3A_48, %parallel_loop3A_49 : i32
        %parallel_loop3A_51 = arith.constant 16 : i32
        %parallel_loop3A_52 = arith.muli %parallel_loop3A_50, %parallel_loop3A_51 : i32
        %parallel_loop3A_53 = arith.index_cast %parallel_loop3A_52 : i32 to index
        %parallel_loop3A_54 = tpu.vector_load %arg8[%parallel_loop3A_53] {strides = array<i32>} : memref<4096xf32, #tpu.memory_space<vmem>>, vector<16xf32>,
        %parallel_loop3A_55 = arith.subf %parallel_loop3A_54, %gather3A : vector<16xf32>
        %parallel_loop3A_56 = arith.index_cast %parallel_loop3A_52 : i32 to index
        %parallel_loop3A_57 = tpu.vector_load %arg9[%parallel_loop3A_56] {strides = array<i32>} : memref<4096xf32, #tpu.memory_space<vmem>>, vector<16xf32>,
        %parallel_loop3A_58 = arith.subf %parallel_loop3A_57, %gather3A_17 : vector<16xf32>
        %parallel_loop3A_59 = arith.index_cast %parallel_loop3A_52 : i32 to index
        %parallel_loop3A_60 = tpu.vector_load %arg10[%parallel_loop3A_59] {strides = array<i32>} : memref<4096xf32, #tpu.memory_space<vmem>>, vector<16xf32>,
        %parallel_loop3A_61 = arith.subf %parallel_loop3A_60, %gather3A_18 : vector<16xf32>
        %parallel_loop3A_62 = arith.mulf %parallel_loop3A_55, %parallel_loop3A_55 : vector<16xf32>
        %parallel_loop3A_63 = arith.mulf %parallel_loop3A_58, %parallel_loop3A_58 : vector<16xf32>
        %parallel_loop3A_64 = arith.addf %parallel_loop3A_62, %parallel_loop3A_63 : vector<16xf32>
        %parallel_loop3A_65 = arith.mulf %parallel_loop3A_61, %parallel_loop3A_61 : vector<16xf32>
        %parallel_loop3A_66 = arith.addf %parallel_loop3A_64, %parallel_loop3A_65 : vector<16xf32>
        %parallel_loop3A_67 = arith.index_cast %parallel_loop3A_52 : i32 to index
        %parallel_loop3A_68 = tpu.vector_load %arg11[%parallel_loop3A_67] {strides = array<i32>} : memref<4096xf32, #tpu.memory_space<vmem>>, vector<16xf32>,
        %parallel_loop3A_69 = arith.minimumf %parallel_loop3A_68, %parallel_loop3A_66 : vector<16xf32>
        %parallel_loop3A_70 = arith.index_cast %parallel_loop3A_52 : i32 to index
        %parallel_loop3A_71 = tpu.vector_load %arg11[%parallel_loop3A_70] {strides = array<i32>} : memref<4096xf32, #tpu.memory_space<vmem>>, vector<16xf32>,
        tpu.vector_store %arg11[%parallel_loop3A_70], %parallel_loop3A_69 {strides = array<i32>} : memref<4096xf32, #tpu.memory_space<vmem>>, vector<16xf32>,
        %parallel_loop3A_72 = arith.constant 16 : i32
        %parallel_loop3A_73 = arith.muli %parallel_loop3A_50, %parallel_loop3A_72 : i32
        %parallel_loop3A_74 = vector.broadcast %parallel_loop3A_73 : i32 to vector<16xi32>
        %parallel_loop3A_75 = arith.addi %iota3A, %parallel_loop3A_74 : vector<16xi32>
        %parallel_loop3A_76 = arith.cmpf ogt, %parallel_loop3A_69, %parallel_loop3A_43 : vector<16xf32>
        %parallel_loop3A_77 = arith.select %parallel_loop3A_76, %parallel_loop3A_69, %parallel_loop3A_43 : vector<16xi1>, vector<16xf32>
        %parallel_loop3A_78 = arith.select %parallel_loop3A_76, %parallel_loop3A_75, %parallel_loop3A_45 : vector<16xi1>, vector<16xi32>
        %parallel_loop3A_79 = arith.constant 2 : i32
        %parallel_loop3A_80 = arith.muli %parallel_loop3A_42, %parallel_loop3A_79 : i32
        %parallel_loop3A_81 = arith.constant 1 : i32
        %parallel_loop3A_82 = arith.addi %parallel_loop3A_80, %parallel_loop3A_81 : i32
        %parallel_loop3A_83 = arith.constant 16 : i32
        %parallel_loop3A_84 = arith.muli %parallel_loop3A_82, %parallel_loop3A_83 : i32
        %parallel_loop3A_85 = arith.index_cast %parallel_loop3A_84 : i32 to index
        %parallel_loop3A_86 = tpu.vector_load %arg8[%parallel_loop3A_85] {strides = array<i32>} : memref<4096xf32, #tpu.memory_space<vmem>>, vector<16xf32>,
        %parallel_loop3A_87 = arith.subf %parallel_loop3A_86, %gather3A : vector<16xf32>
        %parallel_loop3A_88 = arith.index_cast %parallel_loop3A_84 : i32 to index
        %parallel_loop3A_89 = tpu.vector_load %arg9[%parallel_loop3A_88] {strides = array<i32>} : memref<4096xf32, #tpu.memory_space<vmem>>, vector<16xf32>,
        %parallel_loop3A_90 = arith.subf %parallel_loop3A_89, %gather3A_17 : vector<16xf32>
        %parallel_loop3A_91 = arith.index_cast %parallel_loop3A_84 : i32 to index
        %parallel_loop3A_92 = tpu.vector_load %arg10[%parallel_loop3A_91] {strides = array<i32>} : memref<4096xf32, #tpu.memory_space<vmem>>, vector<16xf32>,
        %parallel_loop3A_93 = arith.subf %parallel_loop3A_92, %gather3A_18 : vector<16xf32>
        %parallel_loop3A_94 = arith.mulf %parallel_loop3A_87, %parallel_loop3A_87 : vector<16xf32>
        %parallel_loop3A_95 = arith.mulf %parallel_loop3A_90, %parallel_loop3A_90 : vector<16xf32>
        %parallel_loop3A_96 = arith.addf %parallel_loop3A_94, %parallel_loop3A_95 : vector<16xf32>
        %parallel_loop3A_97 = arith.mulf %parallel_loop3A_93, %parallel_loop3A_93 : vector<16xf32>
        %parallel_loop3A_98 = arith.addf %parallel_loop3A_96, %parallel_loop3A_97 : vector<16xf32>
        %parallel_loop3A_99 = arith.index_cast %parallel_loop3A_84 : i32 to index
        %parallel_loop3A_100 = tpu.vector_load %arg11[%parallel_loop3A_99] {strides = array<i32>} : memref<4096xf32, #tpu.memory_space<vmem>>, vector<16xf32>,
        %parallel_loop3A_101 = arith.minimumf %parallel_loop3A_100, %parallel_loop3A_98 : vector<16xf32>
        %parallel_loop3A_102 = arith.index_cast %parallel_loop3A_84 : i32 to index
        %parallel_loop3A_103 = tpu.vector_load %arg11[%parallel_loop3A_102] {strides = array<i32>} : memref<4096xf32, #tpu.memory_space<vmem>>, vector<16xf32>,
        tpu.vector_store %arg11[%parallel_loop3A_102], %parallel_loop3A_101 {strides = array<i32>} : memref<4096xf32, #tpu.memory_space<vmem>>, vector<16xf32>,
        %parallel_loop3A_104 = arith.constant 16 : i32
        %parallel_loop3A_105 = arith.muli %parallel_loop3A_82, %parallel_loop3A_104 : i32
        %parallel_loop3A_106 = vector.broadcast %parallel_loop3A_105 : i32 to vector<16xi32>
        %parallel_loop3A_107 = arith.addi %iota3A, %parallel_loop3A_106 : vector<16xi32>
        %parallel_loop3A_108 = arith.cmpf ogt, %parallel_loop3A_101, %parallel_loop3A_44 : vector<16xf32>
        %parallel_loop3A_109 = arith.select %parallel_loop3A_108, %parallel_loop3A_101, %parallel_loop3A_44 : vector<16xi1>, vector<16xf32>
        %parallel_loop3A_110 = arith.select %parallel_loop3A_108, %parallel_loop3A_107, %parallel_loop3A_46 : vector<16xi1>, vector<16xi32>
        scf.yield %parallel_loop3A_77, %parallel_loop3A_109, %parallel_loop3A_78, %parallel_loop3A_110 : vector<16xf32>, vector<16xf32>, vector<16xi32>, vector<16xi32>
      } {sc.loop_unroll_factor = 4 : i64, sc.parallel_access}
      %gt3A = arith.cmpf ogt, %parallel_loop3A_26#1, %parallel_loop3A_26#0 : vector<16xf32>
      %eq3A = arith.cmpf oeq, %parallel_loop3A_26#1, %parallel_loop3A_26#0 : vector<16xf32>
      %lt3A = arith.cmpi slt, %parallel_loop3A_26#3, %parallel_loop3A_26#2 : vector<16xi32>
      %and3A = arith.andi %eq3A, %lt3A : vector<16xi1>
      %or3A = arith.ori %gt3A, %and3A : vector<16xi1>
      %select_n3A = arith.select %or3A, %parallel_loop3A_26#1, %parallel_loop3A_26#0 : vector<16xi1>, vector<16xf32>
      %select_n3A_27 = arith.select %or3A, %parallel_loop3A_26#3, %parallel_loop3A_26#2 : vector<16xi1>, vector<16xi32>
      %reduce_max3A = arith.constant true
      %reduce_max3A_28 = vector.broadcast %reduce_max3A : i1 to vector<16xi1>
      %reduce_max3A_29 = tpu.scan <max>, %select_n3A masked %reduce_max3A_28 : vector<16xf32>, vector<16xi1> -> vector<16xf32>
      %reduce_max3A_30 = vector.extract %reduce_max3A_29[15] : f32 from vector<16xf32>
      %eq3A_31 = vector.broadcast %reduce_max3A_30 : f32 to vector<16xf32>
      %eq3A_32 = arith.cmpf oeq, %select_n3A, %eq3A_31 : vector<16xf32>
      %jit3A = arith.constant 2147483647 : i32
      %broadcast_in_dim3A_33 = vector.broadcast %jit3A : i32 to vector<16xi32>
      %select_n3A_34 = arith.select %eq3A_32, %select_n3A_27, %broadcast_in_dim3A_33 : vector<16xi1>, vector<16xi32>
      %reduce_min3A = arith.constant true
      %reduce_min3A_35 = vector.broadcast %reduce_min3A : i1 to vector<16xi1>
      %reduce_min3A_36 = arith.constant -2147483648 : i32
      %reduce_min3A_37 = vector.broadcast %reduce_min3A_36 : i32 to vector<16xi32>
      %reduce_min3A_38 = arith.xori %select_n3A_34, %reduce_min3A_37 : vector<16xi32>
      %reduce_min3A_39 = tpu.scan <min>, %reduce_min3A_38 masked %reduce_min3A_35 : vector<16xi32>, vector<16xi1> -> vector<16xi32>
      %reduce_min3A_40 = arith.xori %reduce_min3A_39, %reduce_min3A_37 : vector<16xi32>
      %reduce_min3A_41 = vector.extract %reduce_min3A_40[15] : i32 from vector<16xi32>
      scf.yield %reduce_min3A_41 : i32
    }
    %scan3A_9 = arith.constant 1024 : i32
    %parallel_loop3A_10 = arith.constant 0 : i32
    %parallel_loop3A_11 = arith.constant 64 : i32
    %parallel_loop3A_12 = arith.constant 1 : i32
    scf.for %parallel_loop3A_13 = %parallel_loop3A_10 to %parallel_loop3A_11 step %parallel_loop3A_12  : i32 {
      %parallel_loop3A_14 = arith.constant 16 : i32
      %parallel_loop3A_15 = arith.muli %parallel_loop3A_13, %parallel_loop3A_14 : i32
      %parallel_loop3A_16 = arith.index_cast %parallel_loop3A_15 : i32 to index
      %parallel_loop3A_17 = tpu.vector_load %arg15[%parallel_loop3A_16] {strides = array<i32>} : memref<1024xi32, #tpu.memory_space<vmem>>, vector<16xi32>,
      %parallel_loop3A_18 = tpu.vector_load_idx %arg8[%parallel_loop3A_17] : memref<4096xf32, #tpu.memory_space<vmem>>[vector<16xi32>], vector<16xf32>,
      %parallel_loop3A_19 = arith.index_cast %parallel_loop3A_15 : i32 to index
      %parallel_loop3A_20 = tpu.vector_load %arg12[%parallel_loop3A_19] {strides = array<i32>} : memref<1024xf32, #tpu.memory_space<vmem>>, vector<16xf32>,
      tpu.vector_store %arg12[%parallel_loop3A_19], %parallel_loop3A_18 {strides = array<i32>} : memref<1024xf32, #tpu.memory_space<vmem>>, vector<16xf32>,
      %parallel_loop3A_21 = tpu.vector_load_idx %arg9[%parallel_loop3A_17] : memref<4096xf32, #tpu.memory_space<vmem>>[vector<16xi32>], vector<16xf32>,
      %parallel_loop3A_22 = arith.index_cast %parallel_loop3A_15 : i32 to index
      %parallel_loop3A_23 = tpu.vector_load %arg13[%parallel_loop3A_22] {strides = array<i32>} : memref<1024xf32, #tpu.memory_space<vmem>>, vector<16xf32>,
      tpu.vector_store %arg13[%parallel_loop3A_22], %parallel_loop3A_21 {strides = array<i32>} : memref<1024xf32, #tpu.memory_space<vmem>>, vector<16xf32>,
      %parallel_loop3A_24 = tpu.vector_load_idx %arg10[%parallel_loop3A_17] : memref<4096xf32, #tpu.memory_space<vmem>>[vector<16xi32>], vector<16xf32>,
      %parallel_loop3A_25 = arith.index_cast %parallel_loop3A_15 : i32 to index
      %parallel_loop3A_26 = tpu.vector_load %arg14[%parallel_loop3A_25] {strides = array<i32>} : memref<1024xf32, #tpu.memory_space<vmem>>, vector<16xf32>,
      tpu.vector_store %arg14[%parallel_loop3A_25], %parallel_loop3A_24 {strides = array<i32>} : memref<1024xf32, #tpu.memory_space<vmem>>, vector<16xf32>,
    } {sc.loop_unroll_factor = 1 : i64, sc.parallel_access}
    "tpu.region"() ({
      %run_scoped3A = tpu.sem_alloc : memref<!tpu.dma_semaphore, #tpu.memory_space<semaphore_mem>>
      %dma_start3A = arith.constant 0 : i32
      %dma_start3A_13 = tpu.memref_slice %arg5[%add3A, %dma_start3A] : memref<32x1024xf32, #tpu.memory_space<hbm>> -> memref<1x1024xf32, #tpu.memory_space<hbm>>
      %dma_start3A_14 = tpu.memref_squeeze %dma_start3A_13 : memref<1x1024xf32, #tpu.memory_space<hbm>> -> memref<1024xf32, #tpu.memory_space<hbm>>
      %dma_start3A_15 = arith.constant 0 : i32
      %dma_start3A_16 = tpu.memref_slice %arg5[%add3A, %dma_start3A_15] : memref<32x1024xf32, #tpu.memory_space<hbm>> -> memref<1x1024xf32, #tpu.memory_space<hbm>>
      %dma_start3A_17 = tpu.memref_squeeze %dma_start3A_16 : memref<1x1024xf32, #tpu.memory_space<hbm>> -> memref<1024xf32, #tpu.memory_space<hbm>>
      tpu.enqueue_dma source(%arg12 : memref<1024xf32, #tpu.memory_space<vmem>>) target(%dma_start3A_17 : memref<1024xf32, #tpu.memory_space<hbm>>) target_semaphore(%run_scoped3A : memref<!tpu.dma_semaphore, #tpu.memory_space<semaphore_mem>>)
      %dma_wait3A = arith.constant 0 : i32
      %dma_wait3A_18 = tpu.memref_slice %arg5[%add3A, %dma_wait3A] : memref<32x1024xf32, #tpu.memory_space<hbm>> -> memref<1x1024xf32, #tpu.memory_space<hbm>>
      %dma_wait3A_19 = tpu.memref_squeeze %dma_wait3A_18 : memref<1x1024xf32, #tpu.memory_space<hbm>> -> memref<1024xf32, #tpu.memory_space<hbm>>
      %dma_wait3A_20 = arith.constant 0 : i32
      %dma_wait3A_21 = tpu.memref_slice %arg5[%add3A, %dma_wait3A_20] : memref<32x1024xf32, #tpu.memory_space<hbm>> -> memref<1x1024xf32, #tpu.memory_space<hbm>>
      %dma_wait3A_22 = tpu.memref_squeeze %dma_wait3A_21 : memref<1x1024xf32, #tpu.memory_space<hbm>> -> memref<1024xf32, #tpu.memory_space<hbm>>
      tpu.wait_dma2 semaphore(%run_scoped3A : memref<!tpu.dma_semaphore, #tpu.memory_space<semaphore_mem>>) src(%arg12 : memref<1024xf32, #tpu.memory_space<vmem>>) dst(%dma_wait3A_22 : memref<1024xf32, #tpu.memory_space<hbm>>)
      tpu.yield
    }) : () -> ()
    "tpu.region"() ({
      %run_scoped3A = tpu.sem_alloc : memref<!tpu.dma_semaphore, #tpu.memory_space<semaphore_mem>>
      %dma_start3A = arith.constant 0 : i32
      %dma_start3A_13 = tpu.memref_slice %arg6[%add3A, %dma_start3A] : memref<32x1024xf32, #tpu.memory_space<hbm>> -> memref<1x1024xf32, #tpu.memory_space<hbm>>
      %dma_start3A_14 = tpu.memref_squeeze %dma_start3A_13 : memref<1x1024xf32, #tpu.memory_space<hbm>> -> memref<1024xf32, #tpu.memory_space<hbm>>
      %dma_start3A_15 = arith.constant 0 : i32
      %dma_start3A_16 = tpu.memref_slice %arg6[%add3A, %dma_start3A_15] : memref<32x1024xf32, #tpu.memory_space<hbm>> -> memref<1x1024xf32, #tpu.memory_space<hbm>>
      %dma_start3A_17 = tpu.memref_squeeze %dma_start3A_16 : memref<1x1024xf32, #tpu.memory_space<hbm>> -> memref<1024xf32, #tpu.memory_space<hbm>>
      tpu.enqueue_dma source(%arg13 : memref<1024xf32, #tpu.memory_space<vmem>>) target(%dma_start3A_17 : memref<1024xf32, #tpu.memory_space<hbm>>) target_semaphore(%run_scoped3A : memref<!tpu.dma_semaphore, #tpu.memory_space<semaphore_mem>>)
      %dma_wait3A = arith.constant 0 : i32
      %dma_wait3A_18 = tpu.memref_slice %arg6[%add3A, %dma_wait3A] : memref<32x1024xf32, #tpu.memory_space<hbm>> -> memref<1x1024xf32, #tpu.memory_space<hbm>>
      %dma_wait3A_19 = tpu.memref_squeeze %dma_wait3A_18 : memref<1x1024xf32, #tpu.memory_space<hbm>> -> memref<1024xf32, #tpu.memory_space<hbm>>
      %dma_wait3A_20 = arith.constant 0 : i32
      %dma_wait3A_21 = tpu.memref_slice %arg6[%add3A, %dma_wait3A_20] : memref<32x1024xf32, #tpu.memory_space<hbm>> -> memref<1x1024xf32, #tpu.memory_space<hbm>>
      %dma_wait3A_22 = tpu.memref_squeeze %dma_wait3A_21 : memref<1x1024xf32, #tpu.memory_space<hbm>> -> memref<1024xf32, #tpu.memory_space<hbm>>
      tpu.wait_dma2 semaphore(%run_scoped3A : memref<!tpu.dma_semaphore, #tpu.memory_space<semaphore_mem>>) src(%arg13 : memref<1024xf32, #tpu.memory_space<vmem>>) dst(%dma_wait3A_22 : memref<1024xf32, #tpu.memory_space<hbm>>)
      tpu.yield
    }) : () -> ()
    "tpu.region"() ({
      %run_scoped3A = tpu.sem_alloc : memref<!tpu.dma_semaphore, #tpu.memory_space<semaphore_mem>>
      %dma_start3A = arith.constant 0 : i32
      %dma_start3A_13 = tpu.memref_slice %arg7[%add3A, %dma_start3A] : memref<32x1024xf32, #tpu.memory_space<hbm>> -> memref<1x1024xf32, #tpu.memory_space<hbm>>
      %dma_start3A_14 = tpu.memref_squeeze %dma_start3A_13 : memref<1x1024xf32, #tpu.memory_space<hbm>> -> memref<1024xf32, #tpu.memory_space<hbm>>
      %dma_start3A_15 = arith.constant 0 : i32
      %dma_start3A_16 = tpu.memref_slice %arg7[%add3A, %dma_start3A_15] : memref<32x1024xf32, #tpu.memory_space<hbm>> -> memref<1x1024xf32, #tpu.memory_space<hbm>>
      %dma_start3A_17 = tpu.memref_squeeze %dma_start3A_16 : memref<1x1024xf32, #tpu.memory_space<hbm>> -> memref<1024xf32, #tpu.memory_space<hbm>>
      tpu.enqueue_dma source(%arg14 : memref<1024xf32, #tpu.memory_space<vmem>>) target(%dma_start3A_17 : memref<1024xf32, #tpu.memory_space<hbm>>) target_semaphore(%run_scoped3A : memref<!tpu.dma_semaphore, #tpu.memory_space<semaphore_mem>>)
      %dma_wait3A = arith.constant 0 : i32
      %dma_wait3A_18 = tpu.memref_slice %arg7[%add3A, %dma_wait3A] : memref<32x1024xf32, #tpu.memory_space<hbm>> -> memref<1x1024xf32, #tpu.memory_space<hbm>>
      %dma_wait3A_19 = tpu.memref_squeeze %dma_wait3A_18 : memref<1x1024xf32, #tpu.memory_space<hbm>> -> memref<1024xf32, #tpu.memory_space<hbm>>
      %dma_wait3A_20 = arith.constant 0 : i32
      %dma_wait3A_21 = tpu.memref_slice %arg7[%add3A, %dma_wait3A_20] : memref<32x1024xf32, #tpu.memory_space<hbm>> -> memref<1x1024xf32, #tpu.memory_space<hbm>>
      %dma_wait3A_22 = tpu.memref_squeeze %dma_wait3A_21 : memref<1x1024xf32, #tpu.memory_space<hbm>> -> memref<1024xf32, #tpu.memory_space<hbm>>
      tpu.wait_dma2 semaphore(%run_scoped3A : memref<!tpu.dma_semaphore, #tpu.memory_space<semaphore_mem>>) src(%arg14 : memref<1024xf32, #tpu.memory_space<vmem>>) dst(%dma_wait3A_22 : memref<1024xf32, #tpu.memory_space<hbm>>)
      tpu.yield
    }) : () -> ()
    return
  }
}

module attributes {stable_mosaic.version = 14 : i64} {
  func.func @_embed_body(%arg0: memref<32x1x1024xf32, #tpu.memory_space<vmem>>, %arg1: memref<32x1x1024xf32, #tpu.memory_space<vmem>>, %arg2: memref<32x1x1024xf32, #tpu.memory_space<vmem>>, %arg3: memref<1x64x1xf32, #tpu.memory_space<vmem>>, %arg4: memref<1x64x1xf32, #tpu.memory_space<vmem>>, %arg5: memref<1x64x1xf32, #tpu.memory_space<vmem>>, %arg6: memref<1x64x1xf32, #tpu.memory_space<vmem>>, %arg7: memref<1x64x1xf32, #tpu.memory_space<vmem>>, %arg8: memref<1x64x1xf32, #tpu.memory_space<vmem>>, %arg9: memref<1x64x1xf32, #tpu.memory_space<vmem>>, %arg10: memref<1x64x1xf32, #tpu.memory_space<vmem>>, %arg11: memref<32x1024x64xf32, #tpu.memory_space<vmem>>) attributes {dimension_semantics = [], scalar_prefetch = 0 : i64, scratch_operands = 0 : i64, tpu.core_type = #tpu.core_type<tc>} {
    %get3A = arith.constant 0 : index
    %get3A_0 = arith.constant 0 : index
    %get3A_1 = arith.constant 0 : index
    %get3A_2 = vector.load %arg0[%get3A, %get3A_0, %get3A_1] : memref<32x1x1024xf32, #tpu.memory_space<vmem>>, vector<32x1x1024xf32>
    %get3A_3 = arith.constant 0 : index
    %get3A_4 = arith.constant 0 : index
    %get3A_5 = arith.constant 0 : index
    %get3A_6 = vector.load %arg1[%get3A_3, %get3A_4, %get3A_5] : memref<32x1x1024xf32, #tpu.memory_space<vmem>>, vector<32x1x1024xf32>
    %get3A_7 = arith.constant 0 : index
    %get3A_8 = arith.constant 0 : index
    %get3A_9 = arith.constant 0 : index
    %get3A_10 = vector.load %arg2[%get3A_7, %get3A_8, %get3A_9] : memref<32x1x1024xf32, #tpu.memory_space<vmem>>, vector<32x1x1024xf32>
    %get3A_11 = arith.constant 0 : index
    %get3A_12 = arith.constant 0 : index
    %get3A_13 = arith.constant 0 : index
    %get3A_14 = vector.load %arg3[%get3A_11, %get3A_12, %get3A_13] : memref<1x64x1xf32, #tpu.memory_space<vmem>>, vector<1x64x1xf32>
    %get3A_15 = arith.constant 0 : index
    %get3A_16 = arith.constant 0 : index
    %get3A_17 = arith.constant 0 : index
    %get3A_18 = vector.load %arg4[%get3A_15, %get3A_16, %get3A_17] : memref<1x64x1xf32, #tpu.memory_space<vmem>>, vector<1x64x1xf32>
    %get3A_19 = arith.constant 0 : index
    %get3A_20 = arith.constant 0 : index
    %get3A_21 = arith.constant 0 : index
    %get3A_22 = vector.load %arg5[%get3A_19, %get3A_20, %get3A_21] : memref<1x64x1xf32, #tpu.memory_space<vmem>>, vector<1x64x1xf32>
    %mul3A = vector.broadcast %get3A_2 : vector<32x1x1024xf32> to vector<32x64x1024xf32>
    %mul3A_23 = vector.broadcast %get3A_14 : vector<1x64x1xf32> to vector<32x64x1024xf32>
    %mul3A_24 = arith.mulf %mul3A, %mul3A_23 : vector<32x64x1024xf32>
    %mul3A_25 = vector.broadcast %get3A_6 : vector<32x1x1024xf32> to vector<32x64x1024xf32>
    %mul3A_26 = vector.broadcast %get3A_18 : vector<1x64x1xf32> to vector<32x64x1024xf32>
    %mul3A_27 = arith.mulf %mul3A_25, %mul3A_26 : vector<32x64x1024xf32>
    %add3A = arith.addf %mul3A_24, %mul3A_27 : vector<32x64x1024xf32>
    %mul3A_28 = vector.broadcast %get3A_10 : vector<32x1x1024xf32> to vector<32x64x1024xf32>
    %mul3A_29 = vector.broadcast %get3A_22 : vector<1x64x1xf32> to vector<32x64x1024xf32>
    %mul3A_30 = arith.mulf %mul3A_28, %mul3A_29 : vector<32x64x1024xf32>
    %add3A_31 = arith.addf %add3A, %mul3A_30 : vector<32x64x1024xf32>
    %get3A_32 = arith.constant 0 : index
    %get3A_33 = arith.constant 0 : index
    %get3A_34 = arith.constant 0 : index
    %get3A_35 = vector.load %arg6[%get3A_32, %get3A_33, %get3A_34] : memref<1x64x1xf32, #tpu.memory_space<vmem>>, vector<1x64x1xf32>
    %add3A_36 = vector.broadcast %get3A_35 : vector<1x64x1xf32> to vector<32x64x1024xf32>
    %add3A_37 = arith.addf %add3A_31, %add3A_36 : vector<32x64x1024xf32>
    %reduce_sum3A = arith.constant dense<0.000000e+00> : vector<32x64xf32>
    %reduce_sum3A_38 = vector.multi_reduction <add>, %add3A_37, %reduce_sum3A [2] : vector<32x64x1024xf32> to vector<32x64xf32>
    %broadcast_in_dim3A = vector.shape_cast %reduce_sum3A_38 : vector<32x64xf32> to vector<32x64x1xf32>
    %reduce_sum3A_39 = arith.constant dense<0.000000e+00> : vector<64x1xf32>
    %reduce_sum3A_40 = vector.multi_reduction <add>, %broadcast_in_dim3A, %reduce_sum3A_39 [0] : vector<32x64x1xf32> to vector<64x1xf32>
    %broadcast_in_dim3A_41 = vector.shape_cast %reduce_sum3A_40 : vector<64x1xf32> to vector<1x64x1xf32>
    %div3A = arith.constant 3.276800e+04 : f32
    %div3A_42 = vector.broadcast %div3A : f32 to vector<1x64x1xf32>
    %div3A_43 = arith.divf %broadcast_in_dim3A_41, %div3A_42 : vector<1x64x1xf32>
    %sub3A = vector.broadcast %div3A_43 : vector<1x64x1xf32> to vector<32x64x1024xf32>
    %sub3A_44 = arith.subf %add3A_37, %sub3A : vector<32x64x1024xf32>
    %mul3A_45 = arith.mulf %sub3A_44, %sub3A_44 : vector<32x64x1024xf32>
    %reduce_sum3A_46 = arith.constant dense<0.000000e+00> : vector<32x64xf32>
    %reduce_sum3A_47 = vector.multi_reduction <add>, %mul3A_45, %reduce_sum3A_46 [2] : vector<32x64x1024xf32> to vector<32x64xf32>
    %broadcast_in_dim3A_48 = vector.shape_cast %reduce_sum3A_47 : vector<32x64xf32> to vector<32x64x1xf32>
    %reduce_sum3A_49 = arith.constant dense<0.000000e+00> : vector<64x1xf32>
    %reduce_sum3A_50 = vector.multi_reduction <add>, %broadcast_in_dim3A_48, %reduce_sum3A_49 [0] : vector<32x64x1xf32> to vector<64x1xf32>
    %broadcast_in_dim3A_51 = vector.shape_cast %reduce_sum3A_50 : vector<64x1xf32> to vector<1x64x1xf32>
    %div3A_52 = arith.constant 3.276800e+04 : f32
    %div3A_53 = vector.broadcast %div3A_52 : f32 to vector<1x64x1xf32>
    %div3A_54 = arith.divf %broadcast_in_dim3A_51, %div3A_53 : vector<1x64x1xf32>
    %add3A_55 = arith.constant 9.99999974E-6 : f32
    %add3A_56 = vector.broadcast %add3A_55 : f32 to vector<1x64x1xf32>
    %add3A_57 = arith.addf %div3A_54, %add3A_56 : vector<1x64x1xf32>
    %sqrt3A = math.sqrt %add3A_57 : vector<1x64x1xf32>
    %div3A_58 = vector.broadcast %sqrt3A : vector<1x64x1xf32> to vector<32x64x1024xf32>
    %div3A_59 = arith.divf %sub3A_44, %div3A_58 : vector<32x64x1024xf32>
    %get3A_60 = arith.constant 0 : index
    %get3A_61 = arith.constant 0 : index
    %get3A_62 = arith.constant 0 : index
    %get3A_63 = vector.load %arg7[%get3A_60, %get3A_61, %get3A_62] : memref<1x64x1xf32, #tpu.memory_space<vmem>>, vector<1x64x1xf32>
    %mul3A_64 = vector.broadcast %get3A_63 : vector<1x64x1xf32> to vector<32x64x1024xf32>
    %mul3A_65 = arith.mulf %div3A_59, %mul3A_64 : vector<32x64x1024xf32>
    %get3A_66 = arith.constant 0 : index
    %get3A_67 = arith.constant 0 : index
    %get3A_68 = arith.constant 0 : index
    %get3A_69 = vector.load %arg8[%get3A_66, %get3A_67, %get3A_68] : memref<1x64x1xf32, #tpu.memory_space<vmem>>, vector<1x64x1xf32>
    %add3A_70 = vector.broadcast %get3A_69 : vector<1x64x1xf32> to vector<32x64x1024xf32>
    %add3A_71 = arith.addf %mul3A_65, %add3A_70 : vector<32x64x1024xf32>
    %gt3A = arith.constant 0.000000e+00 : f32
    %gt3A_72 = vector.broadcast %gt3A : f32 to vector<32x64x1024xf32>
    %gt3A_73 = arith.cmpf ogt, %add3A_71, %gt3A_72 : vector<32x64x1024xf32>
    %mul3A_74 = arith.constant 0.00999999977 : f32
    %mul3A_75 = vector.broadcast %mul3A_74 : f32 to vector<32x64x1024xf32>
    %mul3A_76 = arith.mulf %mul3A_75, %add3A_71 : vector<32x64x1024xf32>
    %select_n3A = arith.select %gt3A_73, %add3A_71, %mul3A_76 : vector<32x64x1024xi1>, vector<32x64x1024xf32>
    %reduce_sum3A_77 = arith.constant dense<0.000000e+00> : vector<32x64xf32>
    %reduce_sum3A_78 = vector.multi_reduction <add>, %select_n3A, %reduce_sum3A_77 [2] : vector<32x64x1024xf32> to vector<32x64xf32>
    %broadcast_in_dim3A_79 = vector.shape_cast %reduce_sum3A_78 : vector<32x64xf32> to vector<32x64x1xf32>
    %div3A_80 = arith.constant 1.024000e+03 : f32
    %div3A_81 = vector.broadcast %div3A_80 : f32 to vector<32x64x1xf32>
    %div3A_82 = arith.divf %broadcast_in_dim3A_79, %div3A_81 : vector<32x64x1xf32>
    %sub3A_83 = vector.broadcast %div3A_82 : vector<32x64x1xf32> to vector<32x64x1024xf32>
    %sub3A_84 = arith.subf %select_n3A, %sub3A_83 : vector<32x64x1024xf32>
    %mul3A_85 = arith.mulf %sub3A_84, %sub3A_84 : vector<32x64x1024xf32>
    %reduce_sum3A_86 = arith.constant dense<0.000000e+00> : vector<32x64xf32>
    %reduce_sum3A_87 = vector.multi_reduction <add>, %mul3A_85, %reduce_sum3A_86 [2] : vector<32x64x1024xf32> to vector<32x64xf32>
    %broadcast_in_dim3A_88 = vector.shape_cast %reduce_sum3A_87 : vector<32x64xf32> to vector<32x64x1xf32>
    %div3A_89 = arith.constant 1.023000e+03 : f32
    %div3A_90 = vector.broadcast %div3A_89 : f32 to vector<32x64x1xf32>
    %div3A_91 = arith.divf %broadcast_in_dim3A_88, %div3A_90 : vector<32x64x1xf32>
    %sqrt3A_92 = math.sqrt %div3A_91 : vector<32x64x1xf32>
    %get3A_93 = arith.constant 0 : index
    %get3A_94 = arith.constant 0 : index
    %get3A_95 = arith.constant 0 : index
    %get3A_96 = vector.load %arg9[%get3A_93, %get3A_94, %get3A_95] : memref<1x64x1xf32, #tpu.memory_space<vmem>>, vector<1x64x1xf32>
    %add3A_97 = arith.constant 9.99999974E-6 : f32
    %add3A_98 = vector.broadcast %add3A_97 : f32 to vector<32x64x1xf32>
    %add3A_99 = arith.addf %sqrt3A_92, %add3A_98 : vector<32x64x1xf32>
    %div3A_100 = vector.broadcast %add3A_99 : vector<32x64x1xf32> to vector<32x64x1024xf32>
    %div3A_101 = arith.divf %sub3A_84, %div3A_100 : vector<32x64x1024xf32>
    %mul3A_102 = vector.broadcast %get3A_96 : vector<1x64x1xf32> to vector<32x64x1024xf32>
    %mul3A_103 = arith.mulf %mul3A_102, %div3A_101 : vector<32x64x1024xf32>
    %get3A_104 = arith.constant 0 : index
    %get3A_105 = arith.constant 0 : index
    %get3A_106 = arith.constant 0 : index
    %get3A_107 = vector.load %arg10[%get3A_104, %get3A_105, %get3A_106] : memref<1x64x1xf32, #tpu.memory_space<vmem>>, vector<1x64x1xf32>
    %add3A_108 = vector.broadcast %get3A_107 : vector<1x64x1xf32> to vector<32x64x1024xf32>
    %add3A_109 = arith.addf %mul3A_103, %add3A_108 : vector<32x64x1024xf32>
    %transpose3A = tpu.transpose %add3A_109, [0, 2, 1] : vector<32x64x1024xf32> -> vector<32x1024x64xf32>
    %swap3A = arith.constant 0 : index
    %swap3A_110 = arith.constant 0 : index
    %swap3A_111 = arith.constant 0 : index
    %swap3A_112 = vector.load %arg11[%swap3A, %swap3A_110, %swap3A_111] : memref<32x1024x64xf32, #tpu.memory_space<vmem>>, vector<32x1024x64xf32>
    tpu.vector_store %arg11[%swap3A, %swap3A_110, %swap3A_111], %transpose3A {strides = array<i32>} : memref<32x1024x64xf32, #tpu.memory_space<vmem>>, vector<32x1024x64xf32>,
    return
  }
}

</mosaic_0001>

<sc_bundles>
// kernel: kernel.4.cloned.1.call-start
scs
__scs_entry_jumppad:
0x0: {  	(pc) =	sbr.rel $0x88, $3  }
0x1: {  	(tag) =	ssettag $0x0;
	lr =	simm.s32 $0x1  }
0x2: {  	[smem:$0x3F9A] =	sst lr;
	_ =	strace $0xD0000000  }
0x3: {  	_ = 	snop  }
0x4: {  	_ = 	snop  }
0x5: {  	_ = 	snop  }
0x6: {  	_ = 	snop  }
0x7: {  	_ = 	snop  }
__scs_overlays_trampoline_lowered:
0x8: {  	[smem:$0x3FA9] =	sst s0  }
0x9: {  	[smem:$0x3FAA] =	sst s1  }
0xa: {  	[smem:$0x3FAB] =	sst s2  }
0xb: {  	[smem:$0x3FAC] =	sst s3  }
0xc: {  	[smem:$0x3FAD] =	sst s4  }
0xd: {  	[smem:$0x3FAE] =	sst s5  }
0xe: {  	[smem:$0x3FAF] =	sst s6  }
0xf: {  	[smem:$0x3FB0] =	sst s7  }
0x10: {  	[smem:$0x3FB1] =	sst s8  }
0x11: {  	[smem:$0x3FB2] =	sst s9;
	s0 =	simm.s32 @!p0 $0x0  }
0x12: {  	s1 =	sld [smem:$0x3F98];
	s0 =	simm.s32 @p0 $0x1  }
0x13: {  	[smem:$0x3FB3] =	sst s0;
	s0 =	simm.s32 @!p1 $0x0  }
0x14: {  	s2 =	sld [smem:$0x3F97];
	s0 =	simm.s32 @p1 $0x1  }
0x15: {  	[smem:$0x3FB4] =	sst s0;
	s0 =	simm.s32 @!p2 $0x0  }
0x16: {  	s3 =	sld [smem:$0x3FDB];
	s0 =	simm.s32 @p2 $0x1  }
0x17: {  	s4 =	simm.s32 $0x1BF5;
	[smem:$0x3FB6] =	sst s0  }
0x18: {  	s0 =	sld [smem:$0x3F99];
	_ =	swait.ge [sflag:s4], $0x0  }
0x19: {  	s7 =	sld [smem:$0x3F9A]  }
0x1a: {  	s8 =	sadd.s32 $0xFFFFE003, lr  }
0x1b: {  	s9 =	sadd.s32 $0xFFFFFEF7, lr;
	s5 =	simm.s32 $0xFFFFFFFF;
	p2 =	slt.u32 s8, $0xFFFFF086  }
0x1c: {  	p1 =	slt.u32 s9, $0xF7A;
	s5 =	simm.s32 @!p2 $0x0  }
0x1d: {  	s5 =	simm.s32 @p1 $0x1;
	p0 =	seq.s32 s7, s2  }
0x1e: {  	s7 =	smul.u32 @!p0 $0xF7A, s2;
	p2 =	seq.s32 @!p0 s5, $0x0  }
0x1f: {  	s9 =	smul.u32 $0xF7A, s1;
	s8 =	simm.s32 @!p0 $0x1BF5;
	p2 =	por !p2, p0  }
0x20: {  	[sflag:s8] =	ssyncset.s32 @!p0 $0xFFFFF086;
	s6 =	sadd.s32 @!p0 s3, s7;
	s7 =	simm.s32 @!p0 $0x108  }
0x21: {  	s3 =	sadd.s32 s3, s9;
	s6 =	sadd.s32 @!p0 $0x88, s6;
	s7 =	simm.s32 @p2 $0x1082  }
0x22: {  	[simem:s7], [sflag:s8] =	dma.local @!p0 [hbm:s6], $0xF7A  }
0x23: {  	s9 =	sor.u32 $0xD0000000, s2;
	s6 =	simm.s32 $0x108;
	_ =	swait.ge @!p0 [sflag:s8], $0x0  }
0x24: {  	s3 =	sadd.s32 $0x88, s3;
	s6 =	simm.s32 @!p1 $0x1082;
	[sflag:s4] =	ssyncset.s32 $0xFFFFF086  }
0x25: {  	[simem:s6], [sflag:s4] =	dma.local [hbm:s3], $0xF7A  }
0x26: {  	[smem:$0x3F9A] =	sst s1;
	(tag) =	ssettag s2;
	_ =	strace s9  }
0x27: {  	s1 =	sld [smem:$0x3FAA]  }
0x28: {  	s2 =	sld [smem:$0x3FAB]  }
0x29: {  	s4 =	sld [smem:$0x3FAD]  }
0x2a: {  	p0 =	seq.s32 s5, $0x0;
	s5 =	sld [smem:$0x3FAE]  }
0x2b: {  	s6 =	sld [smem:$0x3FAF]  }
0x2c: {  	s7 =	sld [smem:$0x3FB0]  }
0x2d: {  	s3 =	simm.s32 $0x108;
	s8 =	sld [smem:$0x3FB1]  }
0x2e: {  	s3 =	simm.s32 @!p0 $0x1082;
	s9 =	sld [smem:$0x3FB2]  }
0x2f: {  	lr =	sadd.s32 s0, s3;
	s0 =	sld [smem:$0x3FA9]  }
0x30: {  	s3 =	sld [smem:$0x3FAC]  }
0x31: {  	[smem:$0x3FB5] =	sst s10  }
0x32: {  	s10 =	sld [smem:$0x3FB3];
	_ =	sdelay $0x3  }
0x33: {  	p0 =	seq.s32 s10, $0x1;
	s10 =	sld [smem:$0x3FB5];
	_ =	sdelay $0x3  }
0x34: {  	[smem:$0x3FB5] =	sst s10  }
0x35: {  	s10 =	sld [smem:$0x3FB4];
	_ =	sdelay $0x3  }
0x36: {  	p1 =	seq.s32 s10, $0x1;
	s10 =	sld [smem:$0x3FB5];
	_ =	sdelay $0x3  }
0x37: {  	[smem:$0x3FB5] =	sst s10  }
0x38: {  	s10 =	sld [smem:$0x3FB6]  }
0x39: {  	_ = 	snop;
	(pc) =	sbr.ind lr, $3  }
0x3a: {  	_ = 	snop  }
0x3b: {  	_ = 	snop  }
0x3c: {  	p2 =	seq.s32 s10, $0x1;
	s10 =	sld [smem:$0x3FB5]  }
0x3d: {  	_ =	shalt  }
0x3e: {  	_ =	shalt  }
0x3f: {  	_ =	shalt  }
0x40: {  	_ =	shalt  }
0x41: {  	_ =	shalt  }
0x42: {  	_ =	shalt  }
0x43: {  	_ =	shalt  }
0x44: {  	_ =	shalt  }
0x45: {  	_ =	shalt  }
0x46: {  	_ =	shalt  }
0x47: {  	_ =	shalt  }
0x48: {  	_ =	shalt  }
0x49: {  	_ =	shalt  }
0x4a: {  	_ =	shalt  }
0x4b: {  	_ =	shalt  }
0x4c: {  	_ =	shalt  }
0x4d: {  	_ =	shalt  }
0x4e: {  	_ =	shalt  }
0x4f: {  	_ =	shalt  }
0x50: {  	_ =	shalt  }
0x51: {  	_ =	shalt  }
0x52: {  	_ =	shalt  }
0x53: {  	_ =	shalt  }
0x54: {  	_ =	shalt  }
0x55: {  	_ =	shalt  }
0x56: {  	_ =	shalt  }
0x57: {  	_ =	shalt  }
0x58: {  	_ =	shalt  }
0x59: {  	_ =	shalt  }
0x5a: {  	_ =	shalt  }
0x5b: {  	_ =	shalt  }
0x5c: {  	_ =	shalt  }
0x5d: {  	_ =	shalt  }
0x5e: {  	_ =	shalt  }
0x5f: {  	_ =	shalt  }
0x60: {  	_ =	shalt  }
0x61: {  	_ =	shalt  }
0x62: {  	_ =	shalt  }
0x63: {  	_ =	shalt  }
0x64: {  	_ =	shalt  }
0x65: {  	_ =	shalt  }
0x66: {  	_ =	shalt  }
0x67: {  	_ =	shalt  }
0x68: {  	_ =	shalt  }
0x69: {  	_ =	shalt  }
0x6a: {  	_ =	shalt  }
0x6b: {  	_ =	shalt  }
0x6c: {  	_ =	shalt  }
0x6d: {  	_ =	shalt  }
0x6e: {  	_ =	shalt  }
0x6f: {  	_ =	shalt  }
0x70: {  	_ =	shalt  }
0x71: {  	_ =	shalt  }
0x72: {  	_ =	shalt  }
0x73: {  	_ =	shalt  }
0x74: {  	_ =	shalt  }
0x75: {  	_ =	shalt  }
0x76: {  	_ =	shalt  }
0x77: {  	_ =	shalt  }
0x78: {  	_ =	shalt  }
0x79: {  	_ =	shalt  }
0x7a: {  	_ =	shalt  }
0x7b: {  	_ =	shalt  }
0x7c: {  	_ =	shalt  }
0x7d: {  	_ =	shalt  }
0x7e: {  	_ =	shalt  }
0x7f: {  	_ =	shalt  }
0x80: {  	_ =	shalt  }
0x81: {  	_ =	shalt  }
0x82: {  	_ =	shalt  }
0x83: {  	_ =	shalt  }
0x84: {  	_ =	shalt  }
0x85: {  	_ =	shalt  }
0x86: {  	_ =	shalt  }
0x87: {  	_ =	shalt  }
.Lfunc_end0:
.L_simem_size_0:
called_computation_lowered:
.L_overlay_start_0:
0x88: {  	s2 =	sld [smem:$0x3FD9]  }
0x89: {  	s3 =	sld [smem:$0x3FFE];
	_ =	sdelay $0x1  }
0x8a: {  	s1 =	srdreg.scid  }
0x8b: {  	s0 =	sand.u32 $0x1, s1  }
0x8c: {  	s17 =	sshll.u32 s0, $0xA;
	s2 =	sadd.s32 s3, s2  }
0x8d: {  	s2 =	sadd.s32 s2, s17  }
0x8e: {  	[smem:$0x3FC1] =	sst s2  }
0x8f: {  	_ = 	snop  }
0x90: {  	s2 =	sld [smem:$0x3FD0];
	(tm) =	ssettm $0x1  }
0x91: {  	s18 =	sld [smem:$0x3FFB];
	_ =	sdelay $0x3  }
0x92: {  	_ =	strace s18  }
0x93: {  	s3 =	sld [smem:$0x3FFC];
	_ =	sdelay $0x3  }
0x94: {  	_ =	strace s3  }
0x95: {  	s3 =	sld [smem:$0x3FFD];
	_ =	sdelay $0x3  }
0x96: {  	_ =	strace s3  }
0x97: {  	_ =	strace $0x8FFFFFFF  }
0x98: {  	s19 =	sld [smem:$0x3FDB];
	_ =	sdelay $0x1  }
0x99: {  	s4 =	simm.s32 $_scs_section_size  }
0x9a: {  	s5 =	simm.s32 $_size__tile_overlayer_lowered;
	s6 =	simm.s32 $_tile_overlayer_lowered  }
0x9b: {  	s22 =	simm.s32 $0x1BFF;
	s21 =	sshll.u32 s6, $0x1;
	s3 =	sadd.s32 s4, s19  }
0x9c: {  	s7 =	simm.s32 $0x0;
	s20 =	sshll.u32 s5, $0x1;
	s5 =	sadd.s32 s21, s3  }
0x9d: {  	[timem:s7], [sflag:s22] =	dma.local [hbm:s5], s20  }
0x9e: {  	_ =	swait.ge [sflag:s22], s20  }
0x9f: {  	s4 =	ssub.s32 $0x0, s20;
	[sflag:s22] =	ssyncset.done $0x0  }
0xa0: {  	[sflag:s22] =	ssyncadd.s32 s4;
	_ =	sdelay $0x1  }
0xa1: {  	s23 =	simm.s32 $0x1B8B  }
0xa2: {  	_ =	swait.ge [sflag:s23], $0x1  }
0xa3: {  	[sflag:s23] =	ssyncset.done $0x0  }
0xa4: {  	s25 =	simm.s32 $0x1B8E;
	s24 =	sld [smem:$0x3FFE];
	[sflag:s23] =	ssyncadd.s32 $0xFFFFFFFF  }
0xa5: {  	s26 =	simm.s32 $execute0_lowered;
	[smem:$0x3FD2] =	sst s25  }
0xa6: {  	s5 =	sshll.u32 s26, $0x1;
	_ =	strace $0x80000046;
	[dreg:$0x1] =	wrdreg $0xFFFFFFFF  }
0xa7: {  	s28 =	simm.s32 $_size_execute0_lowered;
	s3 =	sadd.s32 s3, s5;
	[dreg:$0x0] =	wrdreg $0x0  }
0xa8: {  	s5 =	sshll.u32 s28, $0x1;
	[dreg:$0x2] =	wrdreg s3  }
0xa9: {  	[dreg:$0x3] =	wrdreg s5  }
0xaa: {  	[dreg:$0x4] =	wrdreg $0xC0  }
0xab: {  	_ =	task [dreg:s7], $0x5FFFF  }
0xac: {  	[dreg:$0x1] =	wrdreg $0xFFFFFFFF  }
0xad: {  	[dreg:$0x0] =	wrdreg $0x60  }
0xae: {  	[dreg:$0x2] =	wrdreg s24  }
0xaf: {  	[dreg:$0x3] =	wrdreg s2  }
0xb0: {  	[dreg:$0x4] =	wrdreg $0x9  }
0xb1: {  	_ =	task.clear_ibuf [dreg:s7], $0x5FFFF;
	_ =	strace $0x90000046  }
0xb2: {  	s29 =	simm.s32 $0x9;
	_ =	strace $0x80000048  }
0xb3: {  	_ =	swait.ge [sflag:s29], $0x1  }
0xb4: {  	[sflag:s29] =	ssyncadd.s32 $0xFFFFFFFF  }
0xb5: {  	_ =	strace $0x90000048  }
0xb6: {  	_ =	sfence  }
0xb7: {  	s30 =	sld [smem:$0x0];
	_ =	sdelay $0x2  }
0xb8: {  	s31 =	sshll.u32 s1, $0xD;
	s1 =	sshrl.u32 s1, $0x2  }
0xb9: {  	s3 =	sand.u32 $0x4000, s31;
	s1 =	sadd.s32 s1, s30  }
0xba: {  	s0 =	sor.u32 s3, s0;
	s1 =	sshll.u32 s1, $0x11  }
0xbb: {  	s0 =	sor.u32 s1, s0  }
0xbc: {  	s0 =	sadd.s32 $0x8F2B, s0  }
0xbd: {  	[sflag:s0] =	ssyncadd.remote.s32 $0x1  }
0xbe: {  	_ =	sfence.sel $0xFFFF  }
0xbf: {  	[dreg:$0x0] =	wrdreg $0xFFFFFFFF;
	(pc) =	sbr.abs _section_cstart, $3  }
0xc0: {  	[dreg:$0x1] =	wrdreg $0xFFFFFFFF  }
0xc1: {  	_ =	task.clear_ibuf [dreg:s7], $0x2FFFF;
	_ =	strace $0x9FFFFFFF  }
0xc2: {  	(tm) =	ssettm $0x7FFFFFFF  }
0xc3: {  	_ =	shalt  }
tec
execute0_lowered:
.L_overlay_start_1:
0x0: {  	(tag) =	ssettag $0x1  }
0x1: {  	s3 =	rddreg [dreg:$0x0]  }
0x2: {  	s5 =	rddreg [dreg:$0x1]  }
0x3: {  	s0 =	rddreg [dreg:$0x2]  }
0x4: {  	s2 =	simm.s32 $0x0;
	s4 =	srdreg.scid;
	s1 =	stileid.u32  }
0x5: {  	s11 =	simm.s32 $0x400;
	s12 =	simm.s32 $0x1;
	s13 =	simm.s32 $0x1000  }
0x6: {  	s14 =	simm.s32 $0x2000;
	s15 =	simm.s32 $0x4C00;
	s16 =	simm.s32 $0x4000  }
0x7: {  	s17 =	simm.s32 $0x4400;
	s18 =	simm.s32 $0x4800;
	s19 =	simm.s32 $0x0  }
0x8: {  	[smem:$0x7FF] =	sst s2;
	s4 =	sand.u32 $0x1, s4;
	s6 =	sshll.u32 s1, $0x8  }
0x9: {  	s7 =	sshrl.u32 s1, $0x2;
	s8 =	sshll.u32 s4, $0x7;
	s6 =	sand.u32 $0x300, s6  }
0xa: {  	s29 =	sshll.u32 s7, $0xF;
	s7 =	sshll.u32 s7, $0xD;
	s6 =	sor.u32 s8, s6  }
0xb: {  	_ =	strace $0x80000047;
	s4 =	ssub.s32 $0x2, s4;
	s8 =	sor.u32 s29, s6  }
0xc: {  	s31 =	sshrl.u32 s4, $0x1;
	s6 =	sor.u32 s7, s6;
	s30 =	sshrl.u32 s8, $0x3  }
0xd: {  	s10 =	ssub.s32 s4, s31;
	s6 =	sshrl.u32 s6, $0x3;
	s8 =	sadd.s32 s30, s3  }
0xe: {  	s9 =	sadd.s32 s6, s3;
	s5 =	sadd.s32 s5, s30;
	s3 =	sadd.s32 $0x4C00, s8  }
0xf: {  	s4 =	sadd.s32 $0xC00, s8;
	s6 =	sadd.s32 $0x8C00, s9;
	s7 =	sadd.s32 $0x9C00, s9  }
0x10: {  	v0 =	vimm.f32 $1.000000000e+10;
	v1 =	vlaneseq.u32;
	s8 =	sadd.s32 $0xAC00, s9;
	s9 =	smax.u32 s10, $0x1;
	s10 =	simm.s32 $0x80  }
.LBB2_1:
0x11: {  	[tilespmem:s2], [sflag:$0x1] =	stream.strided.gather [hbm4b:s3+s10], $0x1000, s11, s10, $0x38;
	[tilespmem:$0x5000] =	vst v63  }
0x12: {  	_ =	swait.ge [sflag:s12], $0x1000  }
0x13: {  	[sflag:s12] =	ssyncset.done $0x0  }
0x14: {  	[sflag:s12] =	ssyncadd.s32 $0xFFFFF000  }
0x15: {  	[tilespmem:s13], [sflag:$0x1] =	stream.strided.gather [hbm4b:s4+s10], $0x1000, s11, s10, $0x38;
	[tilespmem:$0x5000] =	vst v63  }
0x16: {  	_ =	swait.ge [sflag:s12], $0x1000  }
0x17: {  	[sflag:s12] =	ssyncset.done $0x0  }
0x18: {  	[sflag:s12] =	ssyncadd.s32 $0xFFFFF000  }
0x19: {  	[tilespmem:s14], [sflag:$0x1] =	stream.strided.gather [hbm4b:s5+s10], $0x1000, s11, s10, $0x38;
	[tilespmem:$0x5000] =	vst v63  }
0x1a: {  	_ =	swait.ge [sflag:s12], $0x1000  }
0x1b: {  	[sflag:s12] =	ssyncset.done $0x0  }
0x1c: {  	s20 =	simm.s32 $0x0;
	[sflag:s12] =	ssyncadd.s32 $0xFFFFF000  }
.LBB2_2:
0x1d: {  	p0 =	sne.s32 s20, $0x3FC0  }
.Ltmp0:
0x1e: {  	_ = 	snop;
	(pc) =	sbr.rel @p0 .LBB2_2-.Ltmp0, $3  }
0x1f: {  	_ =	sdelay $0x1  }
0x20: {  	s21 =	sshra.s32 s20, $0x2  }
0x21: {  	s20 =	sadd.s32 $0x40, s20;
	[tilespmem:s21+$0x3000] =	vst v0  }
0x22: {  	s21 =	simm.s32 $0x0;
	s20 =	simm.s32 $0x0  }
.LBB2_4:
0x23: {  	v2 =	vmov s20  }
0x24: {  	v3 =	vmov s21;
	_ =	sdelay $0x3  }
0x25: {  	[tilespmem:v2+s15+$0x0] =	vst.idx.msk $0xffff, v3  }
0x26: {  	v2 =	vld.idx.msk [tilespmem:v3+s2+$0x0], $0xffff  }
0x27: {  	v4 =	vld.idx.msk [tilespmem:v3+s13+$0x0], $0xffff  }
0x28: {  	s24 =	simm.s32 $0x1040;
	v3 =	vld.idx.msk [tilespmem:v3+s14+$0x0], $0xffff  }
0x29: {  	s22 =	simm.s32 $0x40;
	v5 =	vld [tilespmem:s24+$0xFFFFFFE0]  }
0x2a: {  	v6 =	vld [tilespmem:s22+$0xFFFFFFE0]  }
0x2b: {  	v7 =	vld [tilespmem:s24+$0x0]  }
0x2c: {  	v9 =	vld [tilespmem:s24+$0xFFFFFFC0]  }
0x2d: {  	s21 =	simm.s32 $0x2040;
	v10 =	vld [tilespmem:s22+$0xFFFFFFC0]  }
0x2e: {  	v8 =	vld [tilespmem:s21+$0xFFFFFFE0]  }
0x2f: {  	v11 =	vld [tilespmem:s21+$0xFFFFFFC0]  }
0x30: {  	v12 =	vld [tilespmem:s22+$0x0]  }
0x31: {  	s23 =	simm.s32 $0x3040;
	v13 =	vld [tilespmem:s22+$0x20];
	v5 =	vsub.f32 v5, v4;
	v6 =	vsub.f32 v6, v2  }
0x32: {  	v14 =	vld [tilespmem:s23+$0xFFFFFFE0];
	v9 =	vsub.f32 v9, v4;
	v10 =	vsub.f32 v10, v2  }
0x33: {  	v17 =	vld [tilespmem:s21+$0x20];
	v8 =	vsub.f32 v8, v3;
	v5 =	vmul.f32 v5, v5;
	v6 =	vmul.f32 v6, v6  }
0x34: {  	v15 =	vld [tilespmem:s21+$0x0];
	v10 =	vmul.f32 v10, v10;
	v9 =	vmul.f32 v9, v9  }
0x35: {  	v11 =	vsub.f32 v11, v3;
	v5 =	vadd.f32 v5, v6;
	v6 =	vmul.f32 v8, v8;
	v8 =	vld [tilespmem:s24+$0x20]  }
0x36: {  	v9 =	vadd.f32 v9, v10;
	v10 =	vld [tilespmem:s23+$0xFFFFFFC0]  }
0x37: {  	s28 =	simm.s32 $0x10C0;
	v7 =	vsub.f32 v7, v4;
	v11 =	vmul.f32 v11, v11;
	v5 =	vadd.f32 v6, v5  }
0x38: {  	v16 =	vld [tilespmem:s28+$0xFFFFFFE0];
	v13 =	vsub.f32 v13, v2;
	v17 =	vsub.f32 v17, v3  }
0x39: {  	v9 =	vadd.f32 v11, v9;
	v11 =	vld [tilespmem:s23+$0x30];
	v14 =	vmin.f32 v14, v5;
	v5 =	vsub.f32 v12, v2  }
0x3a: {  	v12 =	vsub.f32 v15, v3;
	v15 =	vld [tilespmem:s23+$0x0];
	[tilespmem:s23+$0xFFFFFFE0] =	vst v14;
	v8 =	vsub.f32 v8, v4  }
0x3b: {  	v7 =	vmul.f32 v7, v7;
	v9 =	vmin.f32 v10, v9;
	v18 =	vld [tilespmem:s21+$0xFFFFFFF0];
	v19 =	vmul.f32 v5, v5  }
0x3c: {  	v13 =	vmul.f32 v13, v13;
	v6 =	vimm.f32 $-1.000000000e+00;
	v20 =	vld [tilespmem:s24+$0xFFFFFFF0];
	[tilespmem:s23+$0xFFFFFFC0] =	vst v9;
	v8 =	vmul.f32 v8, v8  }
0x3d: {  	v12 =	vmul.f32 v12, v12;
	vm0 =	vgt.f32 v9, v6;
	v22 =	vld [tilespmem:s24+$0xFFFFFFD0];
	v7 =	vadd.f32 v7, v19  }
0x3e: {  	s26 =	simm.s32 $0x0;
	v5 =	vimm.s32 $0x0;
	v9 =	vsel vm0, v9, v6;
	v8 =	vadd.f32 v8, v13;
	v13 =	vld [tilespmem:s23+$0x20]  }
0x3f: {  	s25 =	simm.s32 $0x40;
	v24 =	vld [tilespmem:s22+$0xFFFFFFD0];
	v19 =	vor.u32 s26, v1;
	v7 =	vadd.f32 v12, v7;
	v12 =	vmul.f32 v17, v17  }
0x40: {  	v10 =	vor.u32 s25, v1;
	v21 =	vld [tilespmem:s22+$0xFFFFFFF0];
	s26 =	simm.s32 $0x20;
	vm13 =	vgt.f32 v14, v9;
	v19 =	vsel vm0, v19, v5  }
0x41: {  	v23 =	vld [tilespmem:s21+$0xFFFFFFD0];
	v9 =	vsel vm13, v14, v9;
	v17 =	vor.u32 s26, v1;
	v8 =	vadd.f32 v12, v8  }
0x42: {  	v14 =	vsub.f32 v18, v3;
	v17 =	vsel vm13, v17, v19;
	v7 =	vmin.f32 v15, v7;
	v15 =	vld [tilespmem:s23+$0xFFFFFFF0]  }
0x43: {  	v12 =	vsub.f32 v16, v4;
	v25 =	vsub.f32 v22, v4;
	v22 =	vld [tilespmem:s28+$0x0];
	[tilespmem:s23+$0x0] =	vst v7;
	v8 =	vmin.f32 v13, v8  }
0x44: {  	s30 =	simm.s32 $0x60;
	v16 =	vsub.f32 v20, v4;
	v19 =	vsub.f32 v24, v2;
	vm14 =	vgt.f32 v7, v9;
	v28 =	vld [tilespmem:s24+$0x10];
	[tilespmem:s23+$0x20] =	vst v8  }
0x45: {  	v20 =	vor.u32 s30, v1;
	v7 =	vsel vm14, v7, v9;
	v9 =	vsel vm14, v10, v17;
	v17 =	vld [tilespmem:s21+$0x30]  }
0x46: {  	v13 =	vsub.f32 v21, v2;
	v16 =	vmul.f32 v16, v16;
	vm15 =	vgt.f32 v8, v7;
	v29 =	vld [tilespmem:s24+$0x30]  }
0x47: {  	v21 =	vmul.f32 v14, v14;
	v25 =	vmul.f32 v25, v25;
	v10 =	vsel vm15, v8, v7;
	v31 =	vld [tilespmem:s22+$0x30]  }
0x48: {  	s31 =	simm.s32 $0x70;
	s25 =	simm.s32 $0x50;
	v24 =	vld [tilespmem:s28+$0xFFFFFFC0];
	v9 =	vsel vm15, v20, v9;
	v8 =	vmul.f32 v19, v19;
	v14 =	vmul.f32 v13, v13  }
0x49: {  	s26 =	simm.s32 $0x30;
	v18 =	vld [tilespmem:s22+$0x10];
	v7 =	vor.u32 s31, v1;
	v20 =	vsub.f32 v23, v3;
	v13 =	vor.u32 s25, v1;
	s24 =	simm.s32 $0x20C0  }
0x4a: {  	s30 =	simm.s32 $0x10;
	v23 =	vld [tilespmem:s24+$0xFFFFFFE0];
	v26 =	vadd.f32 v16, v14;
	v14 =	vor.u32 s26, v1;
	v28 =	vsub.f32 v28, v4  }
0x4b: {  	s29 =	simm.s32 $0x4;
	v19 =	vld [tilespmem:s21+$0x10];
	s31 =	simm.s32 $0xC0;
	s25 =	simm.s32 $0xC0;
	v16 =	vor.u32 s30, v1;
	v27 =	vsub.f32 v17, v3;
	v30 =	vsub.f32 v29, v4  }
0x4c: {  	s22 =	simm.s32 $0xF0;
	s21 =	simm.s32 $0x3040;
	s26 =	simm.s32 $0x10C0;
	v17 =	vadd.f32 v25, v8;
	v25 =	vld [tilespmem:s25+$0xFFFFFFC0];
	v8 =	vor.u32 s31, v1;
	v29 =	vsub.f32 v31, v2  }
.LBB2_5:
0x4d: {  	s29 =	sadd.s32 $0x4, s29;
	v31 =	vld [tilespmem:s25+$0xFFFFFFE0];
	v21 =	vadd.f32 v21, v26;
	v26 =	vmul.f32 v30, v30;
	v27 =	vmul.f32 v27, v27;
	s23 =	sadd.s32 $0x80, s23  }
0x4e: {  	s28 =	sadd.s32 $0x80, s28;
	v18 =	vsub.f32 v18, v2;
	p0 =	slt.u32 s29, $0x7C;
	v30 =	vld [tilespmem:s24+$0xFFFFFFC0];
	v28 =	vmul.f32 v28, v28;
	v29 =	vmul.f32 v29, v29  }
0x4f: {  	v22 =	vsub.f32 v22, v4;
	v32 =	vld [tilespmem:s28+$0xFFFFFFE0];
	v23 =	vsub.f32 v23, v3;
	v15 =	vmin.f32 v15, v21  }
0x50: {  	v21 =	vsub.f32 v24, v4;
	v24 =	vmul.f32 v12, v12;
	v33 =	vld [tilespmem:s25+$0x0];
	v26 =	vadd.f32 v26, v29  }
0x51: {  	v20 =	vmul.f32 v20, v20;
	v22 =	vmul.f32 v22, v22;
	v12 =	vsub.f32 v25, v2;
	v25 =	vld [tilespmem:s25+$0x20];
	[tilespmem:s21+$0xFFFFFFF0] =	vst v15  }
0x52: {  	s30 =	sadd.s32 $0xFFFFFFB0, s22;
	v19 =	vsub.f32 v19, v3;
	v18 =	vmul.f32 v18, v18;
	v29 =	vsub.f32 v31, v2;
	v31 =	vld [tilespmem:s24+$0x0]  }
0x53: {  	v35 =	vor.u32 s30, v1;
	v21 =	vmul.f32 v21, v21;
	v34 =	vmul.f32 v12, v12;
	v36 =	vld [tilespmem:s21+$0xFFFFFFD0]  }
0x54: {  	s30 =	sadd.s32 $0xFFFFFF90, s22;
	v19 =	vmul.f32 v19, v19;
	v12 =	vsub.f32 v32, v4;
	v29 =	vmul.f32 v29, v29  }
0x55: {  	v26 =	vadd.f32 v27, v26;
	v32 =	vor.u32 s30, v1;
	v21 =	vadd.f32 v21, v34;
	v34 =	vld [tilespmem:s26+$0x20]  }
0x56: {  	v17 =	vadd.f32 v20, v17;
	v23 =	vmul.f32 v23, v23;
	v24 =	vadd.f32 v24, v29;
	v27 =	vld [tilespmem:s23+$0xFFFFFFE0]  }
0x57: {  	v26 =	vmin.f32 v11, v26;
	v20 =	vsub.f32 v33, v2;
	v29 =	vsub.f32 v31, v3;
	v31 =	vld [tilespmem:s21+$0x10]  }
0x58: {  	v18 =	vadd.f32 v28, v18;
	v11 =	vadd.f32 v23, v24;
	v23 =	vld [tilespmem:s24+$0x20];
	v17 =	vmin.f32 v36, v17;
	[tilespmem:s21+$0x30] =	vst v26  }
0x59: {  	v24 =	vsub.f32 v30, v3;
	v28 =	vld [tilespmem:s23+$0xFFFFFFC0];
	v29 =	vmul.f32 v29, v29;
	[tilespmem:s21+$0xFFFFFFD0] =	vst v17;
	vm0 =	vgt.f32 v17, v6  }
0x5a: {  	v25 =	vsub.f32 v25, v2;
	v6 =	vsel vm0, v17, v6;
	v17 =	vadd.f32 v19, v18  }
0x5b: {  	v18 =	vmin.f32 v27, v11;
	v11 =	vsub.f32 v34, v4;
	vm1 =	vgt.f32 v15, v6  }
0x5c: {  	v25 =	vmul.f32 v25, v25;
	v19 =	vmul.f32 v24, v24;
	v5 =	vsel vm0, v16, v5;
	[tilespmem:s23+$0xFFFFFFE0] =	vst v18;
	v24 =	vld [tilespmem:s23+$0x0]  }
0x5d: {  	v20 =	vmul.f32 v20, v20;
	v6 =	vsel vm1, v15, v6;
	v16 =	vld [tilespmem:s24+$0xFFFFFFF0];
	v11 =	vmul.f32 v11, v11  }
0x5e: {  	v15 =	vadd.f32 v19, v21;
	v17 =	vmin.f32 v31, v17;
	v21 =	vsub.f32 v23, v3;
	v19 =	vld [tilespmem:s26+$0xFFFFFFF0]  }
0x5f: {  	v20 =	vadd.f32 v22, v20;
	v5 =	vsel vm1, v14, v5;
	vm0 =	vgt.f32 v17, v6;
	v23 =	vld [tilespmem:s25+$0xFFFFFFF0];
	[tilespmem:s21+$0x10] =	vst v17;
	s21 =	smov.u32 s23  }
0x60: {  	v14 =	vmin.f32 v28, v15;
	v6 =	vsel vm0, v17, v6;
	v15 =	vadd.f32 v11, v25;
	v11 =	vld [tilespmem:s23+$0x30]  }
0x61: {  	v5 =	vsel vm0, v13, v5;
	vm1 =	vgt.f32 v14, v10;
	v17 =	vadd.f32 v29, v20;
	[tilespmem:s23+$0xFFFFFFC0] =	vst v14;
	v20 =	vld [tilespmem:s23+$0x20]  }
0x62: {  	v10 =	vsel vm1, v14, v10;
	v9 =	vsel vm1, v32, v9;
	v14 =	vmul.f32 v21, v21;
	v13 =	vld [tilespmem:s26+$0xFFFFFFD0]  }
0x63: {  	vm0 =	vgt.f32 v26, v6;
	v17 =	vmin.f32 v24, v17;
	v25 =	vld [tilespmem:s24+$0xFFFFFFD0];
	v19 =	vsub.f32 v19, v4  }
0x64: {  	v5 =	vsel vm0, v7, v5;
	vm1 =	vgt.f32 v18, v10;
	v14 =	vadd.f32 v14, v15;
	v22 =	vld [tilespmem:s25+$0xFFFFFFD0];
	[tilespmem:s23+$0x0] =	vst v17  }
0x65: {  	v6 =	vsel vm0, v26, v6;
	v7 =	vsel vm1, v18, v10;
	v10 =	vsub.f32 v16, v3;
	v15 =	vld [tilespmem:s23+$0xFFFFFFF0]  }
0x66: {  	v9 =	vsel vm1, v35, v9;
	vm0 =	vgt.f32 v17, v7;
	v28 =	vld [tilespmem:s26+$0x10];
	v14 =	vmin.f32 v20, v14  }
0x67: {  	v16 =	vsub.f32 v23, v2;
	v7 =	vsel vm0, v17, v7;
	v24 =	vmul.f32 v19, v19;
	v18 =	vld [tilespmem:s25+$0x10];
	[tilespmem:s23+$0x20] =	vst v14  }
0x68: {  	s30 =	sadd.s32 $0xFFFFFFF0, s22;
	v21 =	vmul.f32 v10, v10;
	v8 =	vsel vm0, v8, v9;
	v13 =	vsub.f32 v13, v4;
	v17 =	vld [tilespmem:s24+$0x30]  }
0x69: {  	v9 =	vor.u32 s30, v1;
	vm0 =	vgt.f32 v14, v7;
	v19 =	vsub.f32 v22, v2;
	v29 =	vld [tilespmem:s26+$0x30];
	s26 =	smov.u32 s28  }
0x6a: {  	v10 =	vsel vm0, v14, v7;
	v9 =	vsel vm0, v9, v8;
	v31 =	vld [tilespmem:s25+$0x30]  }
.Ltmp1:
0x6b: {  	s30 =	sadd.s32 $0xFFFFFFE0, s22;
	v14 =	vmul.f32 v16, v16;
	v7 =	vor.u32 s22, v1;
	v8 =	vmul.f32 v19, v19;
	v19 =	vld [tilespmem:s24+$0x10];
	(pc) =	sbr.rel @p0 .LBB2_5-.Ltmp1, $4  }
0x6c: {  	s31 =	sadd.s32 $0xFFFFFFC0, s22;
	v20 =	vsub.f32 v25, v3;
	v16 =	vmul.f32 v13, v13;
	v13 =	vor.u32 s30, v1;
	s24 =	sadd.s32 $0x80, s24;
	v22 =	vld [tilespmem:s28+$0x0]  }
0x6d: {  	s30 =	sadd.s32 $0xFFFFFFA0, s22;
	s22 =	sadd.s32 $0x80, s22;
	v26 =	vadd.f32 v24, v14;
	v14 =	vor.u32 s31, v1;
	v23 =	vld [tilespmem:s24+$0xFFFFFFE0];
	v27 =	vsub.f32 v17, v3  }
0x6e: {  	s31 =	sadd.s32 $0xFFFFFFD0, s22;
	s25 =	sadd.s32 $0x80, s25;
	v17 =	vadd.f32 v16, v8;
	v16 =	vor.u32 s30, v1;
	v24 =	vld [tilespmem:s28+$0xFFFFFFC0];
	v30 =	vsub.f32 v29, v4  }
0x6f: {  	v28 =	vsub.f32 v28, v4;
	v8 =	vor.u32 s31, v1;
	v25 =	vld [tilespmem:s25+$0xFFFFFFC0];
	v29 =	vsub.f32 v31, v2  }
0x70: {  	v21 =	vadd.f32 v21, v26  }
0x71: {  	v31 =	vld [tilespmem:s25+$0xFFFFFFE0];
	v39 =	vmul.f32 v30, v30;
	v27 =	vmul.f32 v27, v27;
	v18 =	vsub.f32 v18, v2  }
0x72: {  	v40 =	vld [tilespmem:s24+$0xFFFFFFC0];
	v12 =	vmul.f32 v12, v12;
	v20 =	vmul.f32 v20, v20;
	v19 =	vsub.f32 v19, v3  }
0x73: {  	v42 =	vld [tilespmem:s25+$0x0];
	s28 =	sadd.s32 $0xFFFFFFB0, s22;
	s30 =	sadd.s32 $0xFFFFFF90, s22;
	v28 =	vmul.f32 v28, v28;
	v29 =	vmul.f32 v29, v29;
	v22 =	vsub.f32 v22, v4  }
0x74: {  	v44 =	vld [tilespmem:s24+$0x0];
	v34 =	vor.u32 s28, v1;
	v47 =	vor.u32 s30, v1;
	v23 =	vsub.f32 v23, v3  }
0x75: {  	v33 =	vld [tilespmem:s25+$0x20];
	v15 =	vmin.f32 v15, v21;
	v18 =	vmul.f32 v18, v18;
	v17 =	vadd.f32 v20, v17  }
0x76: {  	v45 =	vld [tilespmem:s26+$0x20];
	v19 =	vmul.f32 v19, v19;
	v41 =	vsub.f32 v24, v4;
	v26 =	vadd.f32 v39, v29  }
0x77: {  	v22 =	vmul.f32 v22, v22;
	v25 =	vsub.f32 v25, v2;
	v18 =	vadd.f32 v28, v18  }
0x78: {  	v32 =	vld [tilespmem:s21+$0xFFFFFFD0];
	v23 =	vmul.f32 v23, v23;
	v43 =	vsub.f32 v31, v2;
	v26 =	vadd.f32 v27, v26  }
0x79: {  	v51 =	vld [tilespmem:s21+$0x10];
	v21 =	vmul.f32 v41, v41;
	v24 =	vsub.f32 v42, v2;
	v48 =	vsub.f32 v44, v3  }
0x7a: {  	s23 =	sadd.s32 $0x80, s23;
	v49 =	vld [tilespmem:s24+$0x20];
	s31 =	sadd.s32 $0xFFFFFFF0, s22;
	v50 =	vsub.f32 v40, v3;
	v52 =	vsub.f32 v33, v2;
	v25 =	vmul.f32 v25, v25  }
0x7b: {  	v53 =	vld [tilespmem:s23+$0xFFFFFFC0];
	v55 =	vsub.f32 v45, v4;
	v44 =	vor.u32 s31, v1;
	v29 =	vmul.f32 v43, v43  }
0x7c: {  	v46 =	vld [tilespmem:s23+$0xFFFFFFE0];
	v18 =	vadd.f32 v19, v18;
	v56 =	vmul.f32 v50, v50;
	v21 =	vadd.f32 v21, v25  }
0x7d: {  	v11 =	vmin.f32 v11, v26;
	v57 =	vmul.f32 v52, v52;
	v12 =	vadd.f32 v12, v29  }
0x7e: {  	v59 =	vmul.f32 v24, v24;
	v18 =	vmin.f32 v51, v18;
	v21 =	vadd.f32 v56, v21  }
0x7f: {  	v29 =	vmul.f32 v48, v48;
	v23 =	vadd.f32 v23, v12;
	v12 =	vmin.f32 v32, v17  }
0x80: {  	v58 =	vld [tilespmem:s23+$0x0];
	v17 =	vsub.f32 v49, v3;
	vm0 =	vgt.f32 v12, v6;
	v62 =	vmin.f32 v53, v21  }
0x81: {  	v26 =	vld [tilespmem:s23+$0x20];
	v6 =	vsel vm0, v12, v6;
	v54 =	vmin.f32 v46, v23;
	v5 =	vsel vm0, v16, v5;
	[tilespmem:s23+$0xFFFFFFC0] =	vst v62  }
0x82: {  	v23 =	vmul.f32 v55, v55;
	v16 =	vadd.f32 v22, v59;
	vm4 =	vgt.f32 v62, v10;
	v30 =	vld [tilespmem:s26+$0xFFFFFFD0]  }
0x83: {  	v17 =	vmul.f32 v17, v17;
	vm1 =	vgt.f32 v15, v6;
	[tilespmem:s23+$0xFFFFFFE0] =	vst v54;
	v10 =	vsel vm4, v62, v10;
	v32 =	vld [tilespmem:s25+$0xFFFFFFD0]  }
0x84: {  	v9 =	vsel vm4, v47, v9;
	v61 =	vld [tilespmem:s26+$0xFFFFFFF0];
	v63 =	vadd.f32 v23, v57;
	v16 =	vadd.f32 v29, v16  }
0x85: {  	v6 =	vsel vm1, v15, v6;
	v5 =	vsel vm1, v14, v5;
	v28 =	vld [tilespmem:s25+$0xFFFFFFF0];
	vm6 =	vgt.f32 v54, v10  }
0x86: {  	v33 =	vld [tilespmem:s24+$0xFFFFFFD0];
	vm15 =	vgt.f32 v18, v6;
	v31 =	vmin.f32 v58, v16;
	v17 =	vadd.f32 v17, v63  }
0x87: {  	v60 =	vld [tilespmem:s24+$0xFFFFFFF0];
	v36 =	vsel vm6, v54, v10;
	v9 =	vsel vm6, v34, v9;
	v6 =	vsel vm15, v18, v6;
	[tilespmem:s23+$0x0] =	vst v31  }
0x88: {  	v5 =	vsel vm15, v13, v5;
	vm5 =	vgt.f32 v11, v6;
	v37 =	vld [tilespmem:s26+$0x10];
	v17 =	vmin.f32 v26, v17  }
0x89: {  	vm7 =	vgt.f32 v31, v36;
	v39 =	vld [tilespmem:s25+$0x10];
	v13 =	vsub.f32 v30, v4;
	v41 =	vsub.f32 v32, v2;
	[tilespmem:s23+$0x20] =	vst v17  }
0x8a: {  	v5 =	vsel vm5, v7, v5;
	v35 =	vsub.f32 v61, v4;
	v23 =	vsub.f32 v28, v2;
	v40 =	vld [tilespmem:s24+$0x30]  }
0x8b: {  	v6 =	vsel vm5, v11, v6;
	v42 =	vld [tilespmem:s26+$0x30];
	v14 =	vmul.f32 v41, v41;
	v13 =	vmul.f32 v13, v13  }
0x8c: {  	v20 =	vsub.f32 v33, v3;
	v43 =	vld [tilespmem:s25+$0x30];
	v21 =	vmul.f32 v35, v35;
	v23 =	vmul.f32 v23, v23  }
0x8d: {  	v7 =	vsel vm7, v31, v36;
	v8 =	vsel vm7, v8, v9;
	v45 =	vld [tilespmem:s24+$0x10];
	v38 =	vsub.f32 v60, v3  }
0x8e: {  	v47 =	vld [tilespmem:s23+$0xFFFFFFD0];
	v20 =	vmul.f32 v20, v20;
	v13 =	vadd.f32 v13, v14;
	v21 =	vadd.f32 v21, v23  }
0x8f: {  	vm8 =	vgt.f32 v17, v7;
	v10 =	vsub.f32 v37, v4;
	v49 =	vsub.f32 v39, v2  }
0x90: {  	v48 =	vld [tilespmem:s23+$0xFFFFFFF0];
	v7 =	vsel vm8, v17, v7;
	v13 =	vadd.f32 v20, v13;
	v46 =	vsub.f32 v40, v3  }
0x91: {  	v19 =	vmul.f32 v38, v38;
	v50 =	vsub.f32 v42, v4;
	v2 =	vsub.f32 v43, v2  }
0x92: {  	v51 =	vmul.f32 v10, v10;
	v3 =	vsub.f32 v45, v3;
	v52 =	vmul.f32 v49, v49  }
0x93: {  	v54 =	vld [tilespmem:s23+$0x10];
	v53 =	vadd.f32 v19, v21;
	v13 =	vmin.f32 v47, v13;
	v4 =	vmul.f32 v50, v50  }
0x94: {  	v2 =	vmul.f32 v2, v2;
	v3 =	vmul.f32 v3, v3;
	v9 =	vadd.f32 v51, v52  }
0x95: {  	v55 =	vld [tilespmem:s23+$0x30];
	v17 =	vmul.f32 v46, v46;
	v14 =	vmin.f32 v48, v53;
	vm9 =	vgt.f32 v13, v6  }
0x96: {  	s29 =	sadd.s32 $0xFFFFFFA0, s22;
	s30 =	sadd.s32 $0xFFFFFFC0, s22;
	v56 =	vsel vm9, v13, v6;
	v2 =	vadd.f32 v4, v2;
	v3 =	vadd.f32 v3, v9  }
0x97: {  	v59 =	vor.u32 s30, v1;
	v58 =	vor.u32 s29, v1;
	vm2 =	vgt.f32 v14, v56  }
0x98: {  	s28 =	sadd.s32 $0xFFFFFFE0, s22;
	v4 =	vsel vm2, v14, v56;
	v2 =	vadd.f32 v17, v2;
	v3 =	vmin.f32 v54, v3  }
0x99: {  	v57 =	vor.u32 s28, v1;
	v5 =	vsel vm9, v58, v5;
	vm10 =	vgt.f32 v3, v4  }
0x9a: {  	v5 =	vsel vm2, v59, v5;
	v2 =	vmin.f32 v55, v2;
	v4 =	vsel vm10, v3, v4  }
0x9b: {  	v60 =	vor.u32 s22, v1;
	v5 =	vsel vm10, v57, v5;
	vm11 =	vgt.f32 v2, v4  }
0x9c: {  	v61 =	vsel vm8, v44, v8;
	v5 =	vsel vm11, v60, v5;
	v4 =	vsel vm11, v2, v4  }
0x9d: {  	vm12 =	veq.f32 v4, v7;
	vm13 =	vlt.s32 v5, v61  }
0x9e: {  	vm14 =	vgt.f32 v4, v7;
	vm0 =	vmand vm12, vm13  }
0x9f: {  	vm0 =	vmor vm14, vm0  }
0xa0: {  	v4 =	vsel vm0, v4, v7  }
0xa1: {  	(xrf0) =	vmax.scan.msk.f32 $0xffff, v4;
	_ =	sdelay $0x5  }
0xa2: {  	v62, _, _ =	vpop (xrf0)  }
0xa3: {  	v7 =	vbroadcast v62, $0xF  }
0xa4: {  	v5 =	vsel vm0, v5, v61  }
0xa5: {  	v63 =	vxor.u32 $0x80000000, v5;
	vm15 =	veq.f32 v4, v7  }
0xa6: {  	v4 =	vnsel vm15, $0xFFFFFFFF, v63  }
0xa7: {  	(xrf0) =	vmin.scan.msk.u32 $0xffff, v4;
	_ =	sdelay $0x5  }
0xa8: {  	v4, _, _ =	vpop (xrf0)  }
0xa9: {  	(v2sf) =	vpush v4, $0xF;
	_ =	sdelay $0x8  }
0xaa: {  	[tilespmem:s21+$0xFFFFFFF0] =	vst v15  }
0xab: {  	s20 =	sadd.s32 $0x1, s20;
	[tilespmem:s21+$0x30] =	vst v11  }
0xac: {  	p0 =	sne.s32 s20, $0x400;
	[tilespmem:s21+$0x10] =	vst v18  }
.Ltmp2:
0xad: {  	[tilespmem:s21+$0xFFFFFFD0] =	vst v12;
	(pc) =	sbr.rel @p0 .LBB2_4-.Ltmp2, $4  }
0xae: {  	[tilespmem:s23+$0xFFFFFFD0] =	vst v13  }
0xaf: {  	[tilespmem:s23+$0xFFFFFFF0] =	vst v14  }
0xb0: {  	[tilespmem:s23+$0x10] =	vst v3;
	s31 =	spop (v2sf)  }
0xb1: {  	[tilespmem:s23+$0x30] =	vst v2;
	s21 =	sxor.u32 $0x80000000, s31  }
0xb2: {  	s20 =	simm.s32 $0x0  }
0xb3: {  	v3 =	vld [tilespmem:s20+$0x4C00];
	_ =	sdelay $0x3  }
0xb4: {  	s21 =	simm.s32 $0x10  }
0xb5: {  	v2 =	vld [tilespmem:s21+$0x4C00];
	_ =	sdelay $0x2  }
0xb6: {  	v4 =	vld.idx.msk [tilespmem:v3+s2+$0x0], $0xffff;
	_ =	sdelay $0x4  }
0xb7: {  	v7 =	vld.idx.msk [tilespmem:v2+s2+$0x0], $0xffff;
	[tilespmem:s20+$0x4000] =	vst v4  }
0xb8: {  	s23 =	simm.s32 $0x20;
	v5 =	vld.idx.msk [tilespmem:v3+s13+$0x0], $0xffff  }
0xb9: {  	v4 =	vld [tilespmem:s23+$0x4C00];
	_ =	sdelay $0x1  }
0xba: {  	s22 =	simm.s32 $0x30  }
0xbb: {  	v6 =	vld [tilespmem:s22+$0x4C00];
	[tilespmem:s21+$0x4000] =	vst v7  }
0xbc: {  	v8 =	vld.idx.msk [tilespmem:v2+s13+$0x0], $0xffff;
	[tilespmem:s20+$0x4400] =	vst v5  }
0xbd: {  	s24 =	simm.s32 $0x100;
	v7 =	vmov v4;
	v5 =	vld.idx.msk [tilespmem:v3+s14+$0x0], $0xffff;
	v3 =	vmov v4  }
.LBB2_8:
0xbe: {  	_ =	sdelay $0x1  }
0xbf: {  	v9 =	vmov v6  }
0xc0: {  	p0 =	sne.s32 s24, $0xFC0;
	v10 =	vld.idx.msk [tilespmem:v4+s2+$0x0], $0xffff;
	_ =	sdelay $0x1  }
0xc1: {  	v4 =	vmov v6  }
.Ltmp3:
0xc2: {  	(pc) =	sbr.rel @p0 .LBB2_8-.Ltmp3, $4  }
0xc3: {  	s25 =	sshra.s32 s24, $0x2;
	[tilespmem:s20+$0x4800] =	vst v5;
	s20 =	smov.u32 s21;
	s21 =	smov.u32 s23  }
0xc4: {  	s23 =	smov.u32 s22;
	s22 =	smov.u32 s25;
	v6 =	vld [tilespmem:s25+$0x4C00];
	[tilespmem:s20+$0x4400] =	vst v8  }
0xc5: {  	[tilespmem:s21+$0x4000] =	vst v10;
	v5 =	vld.idx.msk [tilespmem:v2+s14+$0x0], $0xffff;
	v2 =	vmov v3;
	v3 =	vmov v4  }
0xc6: {  	s24 =	sadd.s32 $0x40, s24;
	v8 =	vld.idx.msk [tilespmem:v7+s13+$0x0], $0xffff;
	v7 =	vmov v9  }
0xc7: {  	_ =	sdelay $0x4  }
0xc8: {  	v4 =	vld.idx.msk [tilespmem:v4+s2+$0x0], $0xffff  }
0xc9: {  	v9 =	vld.idx.msk [tilespmem:v6+s2+$0x0], $0xffff;
	_ =	sdelay $0x3  }
0xca: {  	[tilespmem:s23+$0x4000] =	vst v4  }
0xcb: {  	v4 =	vld.idx.msk [tilespmem:v7+s13+$0x0], $0xffff;
	[tilespmem:s22+$0x4000] =	vst v9  }
0xcc: {  	v62 =	vld.idx.msk [tilespmem:v6+s13+$0x0], $0xffff;
	_ =	sdelay $0x2  }
0xcd: {  	[tilespmem:s21+$0x4400] =	vst v8  }
0xce: {  	v2 =	vld.idx.msk [tilespmem:v2+s14+$0x0], $0xffff;
	[tilespmem:s23+$0x4400] =	vst v4  }
0xcf: {  	v3 =	vld.idx.msk [tilespmem:v3+s14+$0x0], $0xffff;
	[tilespmem:s22+$0x4400] =	vst v62  }
0xd0: {  	v63 =	vld.idx.msk [tilespmem:v6+s14+$0x0], $0xffff;
	_ =	sdelay $0x1  }
0xd1: {  	[tilespmem:s20+$0x4800] =	vst v5  }
0xd2: {  	[tilespmem:s21+$0x4800] =	vst v2  }
0xd3: {  	[tilespmem:s23+$0x4800] =	vst v3  }
0xd4: {  	[tilespmem:s22+$0x4800] =	vst v63  }
0xd5: {  	[hbm4b:s6+s10] =	stream.strided.scatter [tilespmem:s16], [sflag:$0x1], $0x400, s11, s10, $0x38;
	[tilespmem:$0x5000] =	vst v63  }
0xd6: {  	_ =	swait.ge [sflag:s12], $0x400  }
0xd7: {  	[sflag:s12] =	ssyncset.done $0x0  }
0xd8: {  	[sflag:s12] =	ssyncadd.s32 $0xFFFFFC00  }
0xd9: {  	[hbm4b:s7+s10] =	stream.strided.scatter [tilespmem:s17], [sflag:$0x1], $0x400, s11, s10, $0x38;
	[tilespmem:$0x5000] =	vst v63  }
0xda: {  	s19 =	sadd.s32 $0x1, s19;
	_ =	swait.ge [sflag:s12], $0x400  }
0xdb: {  	p0 =	sne.s32 s19, s9;
	[sflag:s12] =	ssyncset.done $0x0  }
.Ltmp4:
0xdc: {  	[sflag:s12] =	ssyncadd.s32 $0xFFFFFC00;
	(pc) =	sbr.rel @p0 .LBB2_1-.Ltmp4, $4  }
0xdd: {  	[hbm4b:s8+s10] =	stream.strided.scatter [tilespmem:s18], [sflag:$0x1], $0x400, s11, s10, $0x38;
	[tilespmem:$0x5000] =	vst v63  }
0xde: {  	_ =	swait.ge [sflag:s12], $0x400  }
0xdf: {  	[sflag:s12] =	ssyncset.done $0x0  }
0xe0: {  	[sflag:s12] =	ssyncadd.s32 $0xFFFFFC00  }
0xe1: {  	_ =	sfence.sel $0x180000  }
0xe2: {  	[bflag:$0x0] =	sbarrier.arrive $0xFFFF  }
0xe3: {  	p0 =	sne.s32 s1, $0x0;
	_ =	strace $0x90000047  }
0xe4: {  	s0 =	sadd.s32 @!p0 $0x100000, s0;
	[bflag:$0x2] =	sbarrier.arrive $0xFFFF  }
0xe5: {  	[sflag:s0] =	ssyncadd.tile.s32 @!p0 $0x1;
	_ =	shalt  }
.Lfunc_end2:
_tile_overlayer_lowered:
.L_overlay_start_2:
0xe6: {  	(tag) =	ssettag $0x2  }
0xe7: {  	s0 =	rddreg [dreg:$0x0];
	s2 =	stileid.u32  }
0xe8: {  	s1 =	rddreg [dreg:$0x1];
	p0 =	sne.s32 s2, $0x0  }
0xe9: {  	s3 =	rddreg [dreg:$0x2];
	[bflag:$0x3] =	sbarrier.arrive $0xFFFF;
	s2 =	simm.s32 @!p0 $0x1C01  }
0xea: {  	[timem:s3], [sflag:s2] =	dma.local @!p0 [hbm:s0], s1  }
0xeb: {  	s0 =	simm.s32 @!p0 $0x1  }
0xec: {  	_ =	swait.ge @!p0 [sflag:s0], s1  }
0xed: {  	s1 =	ssub.s32 @!p0 $0x0, s1;
	[sflag:s0] =	ssyncset.done @!p0 $0x0  }
0xee: {  	[sflag:s0] =	ssyncadd.s32 @!p0 s1  }
0xef: {  	[bflag:$0x3] =	sbarrier.arrive $0xFFFF  }
0xf0: {  	_ =	shalt  }

</sc_bundles>
